<compile_context>
chip_gen: v7x
topology: tpu7x:2x2x1
jax: 0.10.2.dev20260603
libtpu: 0.0.44.dev20260713+nightly
codegen_flags: <defaults>
</compile_context>

<pallas_src>
import functools

import jax
import jax.numpy as jnp
from jax import lax
from jax.experimental import pallas as pl
from jax.experimental.pallas import tpu as pltpu
from jax.experimental.pallas import tpu_sc as plsc

N = 10000
E = 320000
D = 128

NC = 2
NS = 16
NW = NC * NS
EPW = E // NW
B = 80
CH = EPW // B
NPAD = 10240
ROWS_PER_TILE = NPAD // NS


ZR = 16


def _sc_body(x_hbm, src_hbm, dst_hbm, out_hbm,
             acc, srcs, dsts, rows0, rows1, zbuf, sem0, sem1, sem2):
    c = lax.axis_index("c")
    s = lax.axis_index("s")
    wid = s * NC + c

    i0 = pltpu.async_copy(src_hbm.at[0, wid], srcs, sem0)
    i1 = pltpu.async_copy(dst_hbm.at[1, wid], dsts, sem1)

    zvec = jnp.zeros((16,), jnp.float32)

    def zrow(r, carry):
        for j in range(D // 16):
            zbuf[r, pl.ds(j * 16, 16)] = zvec
        return carry

    lax.fori_loop(0, ZR, zrow, 0)
    r0 = pl.multiple_of(s * ROWS_PER_TILE, 8)
    for k in range(ROWS_PER_TILE // ZR):
        pltpu.async_copy(zbuf, acc.at[pl.ds(r0 + k * ZR, ZR)], sem2)

    bufs = (rows0, rows1)
    sems = (sem0, sem1)

    def gather(ci, buf, sem):
        pltpu.async_copy(x_hbm.at[srcs.at[pl.ds(ci * B, B)]], buf, sem)

    def wait_gather(ci, buf, sem):
        pltpu.make_async_copy(x_hbm.at[srcs.at[pl.ds(ci * B, B)]], buf,
                              sem).wait()

    i0.wait()
    gather(0, rows0, sem0)
    i1.wait()
    gather(1, rows1, sem1)
    for k in range(ROWS_PER_TILE // ZR):
        pltpu.make_async_copy(zbuf, acc.at[pl.ds(r0 + k * ZR, ZR)],
                              sem2).wait()

    plsc.subcore_barrier()

    def chunk_pair(ci0, carry):
        for b in range(2):
            ci = ci0 + b
            buf, sem = bufs[b], sems[b]
            wait_gather(ci, buf, sem)
            pltpu.sync_copy(buf, acc.at[dsts.at[ci]], add=True)
            @pl.when(ci + 2 < CH)
            def _():
                gather(ci + 2, buf, sem)
        return carry

    lax.fori_loop(0, (CH - 1) // 2, lambda i, cr: chunk_pair(i * 2, cr), 0)

    wait_gather(CH - 1, rows0, sem0)
    pltpu.sync_copy(rows0, acc.at[dsts.at[CH - 1]], add=True)

    plsc.subcore_barrier()

    pltpu.sync_copy(acc.at[pl.ds(r0, ROWS_PER_TILE)],
                    out_hbm.at[c, pl.ds(r0, ROWS_PER_TILE)])


_sc_aggregate = functools.partial(
    pl.kernel,
    out_type=jax.ShapeDtypeStruct((NC, NPAD, D), jnp.float32),
    mesh=plsc.VectorSubcoreMesh(core_axis_name="c", subcore_axis_name="s",
                                num_cores=NC, num_subcores=NS),
    scratch_types=[
        pltpu.VMEM_SHARED((NPAD, D), jnp.float32),
        pltpu.VMEM((EPW,), jnp.int32),
        pltpu.VMEM((CH, B), jnp.int32),
        pltpu.VMEM((B, D), jnp.float32),
        pltpu.VMEM((B, D), jnp.float32),
        pltpu.VMEM((ZR, D), jnp.float32),
        pltpu.SemaphoreType.DMA,
        pltpu.SemaphoreType.DMA,
        pltpu.SemaphoreType.DMA,
    ],
)(_sc_body)


def _tc_body(x_ref, p_ref, wvt_ref, bv_ref, wat_ref, ba_ref, o_ref):
    x = x_ref[...]
    aggr = p_ref[0] + p_ref[1]
    v = jnp.maximum(
        jnp.dot(x, wvt_ref[...], preferred_element_type=jnp.float32)
        + bv_ref[...], 0.0)
    a = jnp.maximum(
        jnp.dot(aggr, wat_ref[...], preferred_element_type=jnp.float32)
        + ba_ref[...], 0.0)
    o_ref[...] = jnp.maximum(v + jnp.minimum(x, a), 0.0)


_TC_BLOCK = 2000


def _tc_combine(x, p, wvt, bv, wat, ba):
    row_spec = pl.BlockSpec((_TC_BLOCK, D), lambda i: (i, 0))
    p_spec = pl.BlockSpec((NC, _TC_BLOCK, D), lambda i: (0, i, 0))
    full_spec = pl.BlockSpec((D, D), lambda i: (0, 0))
    bias_spec = pl.BlockSpec((1, D), lambda i: (0, 0))
    return pl.pallas_call(
        _tc_body,
        grid=(N // _TC_BLOCK,),
        in_specs=[row_spec, p_spec, full_spec, bias_spec, full_spec,
                  bias_spec],
        out_specs=row_spec,
        out_shape=jax.ShapeDtypeStruct((N, D), jnp.float32),
    )(x, p, wvt, bv, wat, ba)


@jax.jit
def kernel(x, edge_index, batch, Wv, bv, Wa, ba):
    src = edge_index.reshape(2, NW, EPW)
    dst = edge_index.reshape(2, NW, CH, B)
    partials = _sc_aggregate(x, src, dst)
    h = _tc_combine(x, partials,
                    Wv.T, bv.reshape(1, D), Wa.T, ba.reshape(1, D))
    return h

# --- scband reference (transcript-rebuilt; emitter-appended) ---
"""Pipeline reference for scband-racgnn-20083267076629 (READ-ONLY COPY).

The authoritative reference and input builder live on the scoring server;
editing this copy changes nothing except your own understanding.
"""

import jax, jax.numpy as jnp
import numpy as np

N = 10000
E = 320000
D = 128


def setup_inputs(seed: int = 0) -> dict:
    key = jax.random.key(seed)
    k1, k2, k3, k4, k5, k6 = jax.random.split(key, 6)
    x = jax.random.normal(k1, (N, D), dtype=jnp.float32)
    edge_index = jax.random.randint(k2, (2, E), 0, N, dtype=jnp.int32)
    batch = jnp.zeros((N,), dtype=jnp.int32)
    s = 1.0 / np.sqrt(D)
    Wv = jax.random.uniform(k3, (D, D), dtype=jnp.float32, minval=-s, maxval=s)
    bv = jax.random.uniform(k4, (D,), dtype=jnp.float32, minval=-s, maxval=s)
    Wa = jax.random.uniform(k5, (D, D), dtype=jnp.float32, minval=-s, maxval=s)
    ba = jax.random.uniform(k6, (D,), dtype=jnp.float32, minval=-s, maxval=s)
    return {"x": x, "edge_index": edge_index, "batch": batch,
            "Wv": Wv, "bv": bv, "Wa": Wa, "ba": ba}


def reference(x, edge_index, batch, Wv, bv, Wa, ba):
    # ACConv with aggr='add', combine_type='simple', combine_layers=1:
    # V and A are 1-layer MLPs: relu(Linear(.)).
    src = edge_index[0]
    dst = edge_index[1]
    # message: h_j = h[src]; aggregate: scatter-add onto dst
    msgs = jnp.take(x, src, axis=0)
    aggr = jax.ops.segment_sum(msgs, dst, num_segments=N)
    V = jax.nn.relu(x @ Wv.T + bv)
    A = jax.nn.relu(aggr @ Wa.T + ba)
    updated = V + jnp.minimum(x, A)
    # RACGNN forward: activation after conv; final_mlp=False -> return h
    h = jax.nn.relu(updated)
    return h

if __name__ == "__main__":
    import jax
    _d = setup_inputs()
    print(jax.jit(kernel)(*tuple(_d.values())))

</pallas_src>

<mosaic_0001>
#map = affine_map<(d0, d1) -> (0, 0)>
#map1 = affine_map<(d0, d1) -> (0, 0, 0)>
#map2 = affine_map<(d0, d1) -> (0, 0, 0, 0)>
module attributes {stable_mosaic.version = 14 : i64} {
  func.func @_sc_body(%arg0: i32, %arg1: i32, %arg2: memref<10000x128xf32, #tpu.memory_space<hbm>>, %arg3: memref<2x32x10000xi32, #tpu.memory_space<hbm>>, %arg4: memref<2x32x125x80xi32, #tpu.memory_space<hbm>>, %arg5: memref<2x10240x128xf32, #tpu.memory_space<hbm>>, %arg6: memref<10240x128xf32, #tpu.memory_space<vmem_shared>>, %arg7: memref<10000xi32, #tpu.memory_space<vmem>>, %arg8: memref<125x80xi32, #tpu.memory_space<vmem>>, %arg9: memref<80x128xf32, #tpu.memory_space<vmem>>, %arg10: memref<80x128xf32, #tpu.memory_space<vmem>>, %arg11: memref<16x128xf32, #tpu.memory_space<vmem>>, %arg12: memref<!tpu.dma_semaphore, #tpu.memory_space<semaphore_mem>>, %arg13: memref<!tpu.dma_semaphore, #tpu.memory_space<semaphore_mem>>, %arg14: memref<!tpu.dma_semaphore, #tpu.memory_space<semaphore_mem>>) attributes {dimension_semantics = [#tpu.dimension_semantics<core_parallel>, #tpu.dimension_semantics<subcore_parallel>], iteration_bounds = array<i64: 2, 16>, scalar_prefetch = 0 : i64, scratch_operands = 9 : i64, tpu.core_type = #tpu.core_type<sc_vector_subcore>, window_params = [{transform_indices = #map}, {transform_indices = #map1}, {transform_indices = #map2}, {transform_indices = #map1}]} {
    %mul3A = arith.constant 2 : i32
    %mul3A_0 = arith.muli %arg1, %mul3A : i32
    %add3A = arith.addi %mul3A_0, %arg0 : i32
    %dma_start3A = arith.constant 0 : i32
    %dma_start3A_1 = arith.constant 0 : i32
    %dma_start3A_2 = tpu.memref_slice %arg3[%dma_start3A, %add3A, %dma_start3A_1] : memref<2x32x10000xi32, #tpu.memory_space<hbm>> -> memref<1x1x10000xi32, #tpu.memory_space<hbm>>
    %dma_start3A_3 = tpu.memref_squeeze %dma_start3A_2 : memref<1x1x10000xi32, #tpu.memory_space<hbm>> -> memref<10000xi32, #tpu.memory_space<hbm>>
    %dma_start3A_4 = arith.constant 0 : i32
    %dma_start3A_5 = tpu.memref_slice %arg3[%dma_start3A, %add3A, %dma_start3A_4] : memref<2x32x10000xi32, #tpu.memory_space<hbm>> -> memref<1x1x10000xi32, #tpu.memory_space<hbm>>
    %dma_start3A_6 = tpu.memref_squeeze %dma_start3A_5 : memref<1x1x10000xi32, #tpu.memory_space<hbm>> -> memref<10000xi32, #tpu.memory_space<hbm>>
    tpu.enqueue_dma source(%dma_start3A_6 : memref<10000xi32, #tpu.memory_space<hbm>>) target(%arg7 : memref<10000xi32, #tpu.memory_space<vmem>>) target_semaphore(%arg12 : memref<!tpu.dma_semaphore, #tpu.memory_space<semaphore_mem>>)
    %dma_start3A_7 = arith.constant 1 : i32
    %dma_start3A_8 = arith.constant 0 : i32
    %dma_start3A_9 = arith.constant 0 : i32
    %dma_start3A_10 = tpu.memref_slice %arg4[%dma_start3A_7, %add3A, %dma_start3A_8, %dma_start3A_9] : memref<2x32x125x80xi32, #tpu.memory_space<hbm>> -> memref<1x1x125x80xi32, #tpu.memory_space<hbm>>
    %dma_start3A_11 = tpu.memref_squeeze %dma_start3A_10 : memref<1x1x125x80xi32, #tpu.memory_space<hbm>> -> memref<125x80xi32, #tpu.memory_space<hbm>>
    %dma_start3A_12 = arith.constant 0 : i32
    %dma_start3A_13 = arith.constant 0 : i32
    %dma_start3A_14 = tpu.memref_slice %arg4[%dma_start3A_7, %add3A, %dma_start3A_12, %dma_start3A_13] : memref<2x32x125x80xi32, #tpu.memory_space<hbm>> -> memref<1x1x125x80xi32, #tpu.memory_space<hbm>>
    %dma_start3A_15 = tpu.memref_squeeze %dma_start3A_14 : memref<1x1x125x80xi32, #tpu.memory_space<hbm>> -> memref<125x80xi32, #tpu.memory_space<hbm>>
    tpu.enqueue_dma source(%dma_start3A_15 : memref<125x80xi32, #tpu.memory_space<hbm>>) target(%arg8 : memref<125x80xi32, #tpu.memory_space<vmem>>) target_semaphore(%arg13 : memref<!tpu.dma_semaphore, #tpu.memory_space<semaphore_mem>>)
    %broadcast_in_dim3A = arith.constant 0.000000e+00 : f32
    %broadcast_in_dim3A_16 = vector.broadcast %broadcast_in_dim3A : f32 to vector<16xf32>
    %scan3A = arith.constant 0 : i32
    %scan3A_17 = arith.constant 0 : i32
    %scan3A_18 = arith.constant 16 : i32
    %scan3A_19 = arith.addi %scan3A_17, %scan3A_18 : i32
    %scan3A_20 = arith.constant 1 : i32
    scf.for %scan3A_541 = %scan3A_17 to %scan3A_19 step %scan3A_20  : i32 {
      %swap3A = arith.index_cast %scan3A_541 : i32 to index
      %swap3A_542 = arith.constant 0 : index
      %swap3A_543 = tpu.vector_load %arg11[%swap3A, %swap3A_542] {strides = array<i32>} : memref<16x128xf32, #tpu.memory_space<vmem>>, vector<1x16xf32>,
      %swap3A_544 = vector.shape_cast %swap3A_543 : vector<1x16xf32> to vector<16xf32>
      %swap3A_545 = vector.shape_cast %broadcast_in_dim3A_16 : vector<16xf32> to vector<1x16xf32>
      tpu.vector_store %arg11[%swap3A, %swap3A_542], %swap3A_545 {strides = array<i32>} : memref<16x128xf32, #tpu.memory_space<vmem>>, vector<1x16xf32>,
      %swap3A_546 = arith.index_cast %scan3A_541 : i32 to index
      %swap3A_547 = arith.constant 16 : index
      %swap3A_548 = tpu.vector_load %arg11[%swap3A_546, %swap3A_547] {strides = array<i32>} : memref<16x128xf32, #tpu.memory_space<vmem>>, vector<1x16xf32>,
      %swap3A_549 = vector.shape_cast %swap3A_548 : vector<1x16xf32> to vector<16xf32>
      %swap3A_550 = vector.shape_cast %broadcast_in_dim3A_16 : vector<16xf32> to vector<1x16xf32>
      tpu.vector_store %arg11[%swap3A_546, %swap3A_547], %swap3A_550 {strides = array<i32>} : memref<16x128xf32, #tpu.memory_space<vmem>>, vector<1x16xf32>,
      %swap3A_551 = arith.index_cast %scan3A_541 : i32 to index
      %swap3A_552 = arith.constant 32 : index
      %swap3A_553 = tpu.vector_load %arg11[%swap3A_551, %swap3A_552] {strides = array<i32>} : memref<16x128xf32, #tpu.memory_space<vmem>>, vector<1x16xf32>,
      %swap3A_554 = vector.shape_cast %swap3A_553 : vector<1x16xf32> to vector<16xf32>
      %swap3A_555 = vector.shape_cast %broadcast_in_dim3A_16 : vector<16xf32> to vector<1x16xf32>
      tpu.vector_store %arg11[%swap3A_551, %swap3A_552], %swap3A_555 {strides = array<i32>} : memref<16x128xf32, #tpu.memory_space<vmem>>, vector<1x16xf32>,
      %swap3A_556 = arith.index_cast %scan3A_541 : i32 to index
      %swap3A_557 = arith.constant 48 : index
      %swap3A_558 = tpu.vector_load %arg11[%swap3A_556, %swap3A_557] {strides = array<i32>} : memref<16x128xf32, #tpu.memory_space<vmem>>, vector<1x16xf32>,
      %swap3A_559 = vector.shape_cast %swap3A_558 : vector<1x16xf32> to vector<16xf32>
      %swap3A_560 = vector.shape_cast %broadcast_in_dim3A_16 : vector<16xf32> to vector<1x16xf32>
      tpu.vector_store %arg11[%swap3A_556, %swap3A_557], %swap3A_560 {strides = array<i32>} : memref<16x128xf32, #tpu.memory_space<vmem>>, vector<1x16xf32>,
      %swap3A_561 = arith.index_cast %scan3A_541 : i32 to index
      %swap3A_562 = arith.constant 64 : index
      %swap3A_563 = tpu.vector_load %arg11[%swap3A_561, %swap3A_562] {strides = array<i32>} : memref<16x128xf32, #tpu.memory_space<vmem>>, vector<1x16xf32>,
      %swap3A_564 = vector.shape_cast %swap3A_563 : vector<1x16xf32> to vector<16xf32>
      %swap3A_565 = vector.shape_cast %broadcast_in_dim3A_16 : vector<16xf32> to vector<1x16xf32>
      tpu.vector_store %arg11[%swap3A_561, %swap3A_562], %swap3A_565 {strides = array<i32>} : memref<16x128xf32, #tpu.memory_space<vmem>>, vector<1x16xf32>,
      %swap3A_566 = arith.index_cast %scan3A_541 : i32 to index
      %swap3A_567 = arith.constant 80 : index
      %swap3A_568 = tpu.vector_load %arg11[%swap3A_566, %swap3A_567] {strides = array<i32>} : memref<16x128xf32, #tpu.memory_space<vmem>>, vector<1x16xf32>,
      %swap3A_569 = vector.shape_cast %swap3A_568 : vector<1x16xf32> to vector<16xf32>
      %swap3A_570 = vector.shape_cast %broadcast_in_dim3A_16 : vector<16xf32> to vector<1x16xf32>
      tpu.vector_store %arg11[%swap3A_566, %swap3A_567], %swap3A_570 {strides = array<i32>} : memref<16x128xf32, #tpu.memory_space<vmem>>, vector<1x16xf32>,
      %swap3A_571 = arith.index_cast %scan3A_541 : i32 to index
      %swap3A_572 = arith.constant 96 : index
      %swap3A_573 = tpu.vector_load %arg11[%swap3A_571, %swap3A_572] {strides = array<i32>} : memref<16x128xf32, #tpu.memory_space<vmem>>, vector<1x16xf32>,
      %swap3A_574 = vector.shape_cast %swap3A_573 : vector<1x16xf32> to vector<16xf32>
      %swap3A_575 = vector.shape_cast %broadcast_in_dim3A_16 : vector<16xf32> to vector<1x16xf32>
      tpu.vector_store %arg11[%swap3A_571, %swap3A_572], %swap3A_575 {strides = array<i32>} : memref<16x128xf32, #tpu.memory_space<vmem>>, vector<1x16xf32>,
      %swap3A_576 = arith.index_cast %scan3A_541 : i32 to index
      %swap3A_577 = arith.constant 112 : index
      %swap3A_578 = tpu.vector_load %arg11[%swap3A_576, %swap3A_577] {strides = array<i32>} : memref<16x128xf32, #tpu.memory_space<vmem>>, vector<1x16xf32>,
      %swap3A_579 = vector.shape_cast %swap3A_578 : vector<1x16xf32> to vector<16xf32>
      %swap3A_580 = vector.shape_cast %broadcast_in_dim3A_16 : vector<16xf32> to vector<1x16xf32>
      tpu.vector_store %arg11[%swap3A_576, %swap3A_577], %swap3A_580 {strides = array<i32>} : memref<16x128xf32, #tpu.memory_space<vmem>>, vector<1x16xf32>,
    }
    %scan3A_21 = arith.constant 16 : i32
    %mul3A_22 = arith.constant 640 : i32
    %mul3A_23 = arith.muli %arg1, %mul3A_22 : i32
    %multiple_of3A = tpu.assume_multiple %mul3A_23, 8 : i32
    %add3A_24 = arith.constant 0 : i32
    %add3A_25 = arith.addi %multiple_of3A, %add3A_24 : i32
    %dma_start3A_26 = arith.constant 0 : i32
    %dma_start3A_27 = tpu.memref_slice %arg6[%add3A_25, %dma_start3A_26] : memref<10240x128xf32, #tpu.memory_space<vmem_shared>> -> memref<16x128xf32, #tpu.memory_space<vmem_shared>>
    %dma_start3A_28 = arith.constant 0 : i32
    %dma_start3A_29 = tpu.memref_slice %arg6[%add3A_25, %dma_start3A_28] : memref<10240x128xf32, #tpu.memory_space<vmem_shared>> -> memref<16x128xf32, #tpu.memory_space<vmem_shared>>
    tpu.enqueue_dma source(%arg11 : memref<16x128xf32, #tpu.memory_space<vmem>>) target(%dma_start3A_29 : memref<16x128xf32, #tpu.memory_space<vmem_shared>>) target_semaphore(%arg14 : memref<!tpu.dma_semaphore, #tpu.memory_space<semaphore_mem>>)
    %add3A_30 = arith.constant 16 : i32
    %add3A_31 = arith.addi %multiple_of3A, %add3A_30 : i32
    %dma_start3A_32 = arith.constant 0 : i32
    %dma_start3A_33 = tpu.memref_slice %arg6[%add3A_31, %dma_start3A_32] : memref<10240x128xf32, #tpu.memory_space<vmem_shared>> -> memref<16x128xf32, #tpu.memory_space<vmem_shared>>
    %dma_start3A_34 = arith.constant 0 : i32
    %dma_start3A_35 = tpu.memref_slice %arg6[%add3A_31, %dma_start3A_34] : memref<10240x128xf32, #tpu.memory_space<vmem_shared>> -> memref<16x128xf32, #tpu.memory_space<vmem_shared>>
    tpu.enqueue_dma source(%arg11 : memref<16x128xf32, #tpu.memory_space<vmem>>) target(%dma_start3A_35 : memref<16x128xf32, #tpu.memory_space<vmem_shared>>) target_semaphore(%arg14 : memref<!tpu.dma_semaphore, #tpu.memory_space<semaphore_mem>>)
    %add3A_36 = arith.constant 32 : i32
    %add3A_37 = arith.addi %multiple_of3A, %add3A_36 : i32
    %dma_start3A_38 = arith.constant 0 : i32
    %dma_start3A_39 = tpu.memref_slice %arg6[%add3A_37, %dma_start3A_38] : memref<10240x128xf32, #tpu.memory_space<vmem_shared>> -> memref<16x128xf32, #tpu.memory_space<vmem_shared>>
    %dma_start3A_40 = arith.constant 0 : i32
    %dma_start3A_41 = tpu.memref_slice %arg6[%add3A_37, %dma_start3A_40] : memref<10240x128xf32, #tpu.memory_space<vmem_shared>> -> memref<16x128xf32, #tpu.memory_space<vmem_shared>>
    tpu.enqueue_dma source(%arg11 : memref<16x128xf32, #tpu.memory_space<vmem>>) target(%dma_start3A_41 : memref<16x128xf32, #tpu.memory_space<vmem_shared>>) target_semaphore(%arg14 : memref<!tpu.dma_semaphore, #tpu.memory_space<semaphore_mem>>)
    %add3A_42 = arith.constant 48 : i32
    %add3A_43 = arith.addi %multiple_of3A, %add3A_42 : i32
    %dma_start3A_44 = arith.constant 0 : i32
    %dma_start3A_45 = tpu.memref_slice %arg6[%add3A_43, %dma_start3A_44] : memref<10240x128xf32, #tpu.memory_space<vmem_shared>> -> memref<16x128xf32, #tpu.memory_space<vmem_shared>>
    %dma_start3A_46 = arith.constant 0 : i32
    %dma_start3A_47 = tpu.memref_slice %arg6[%add3A_43, %dma_start3A_46] : memref<10240x128xf32, #tpu.memory_space<vmem_shared>> -> memref<16x128xf32, #tpu.memory_space<vmem_shared>>
    tpu.enqueue_dma source(%arg11 : memref<16x128xf32, #tpu.memory_space<vmem>>) target(%dma_start3A_47 : memref<16x128xf32, #tpu.memory_space<vmem_shared>>) target_semaphore(%arg14 : memref<!tpu.dma_semaphore, #tpu.memory_space<semaphore_mem>>)
    %add3A_48 = arith.constant 64 : i32
    %add3A_49 = arith.addi %multiple_of3A, %add3A_48 : i32
    %dma_start3A_50 = arith.constant 0 : i32
    %dma_start3A_51 = tpu.memref_slice %arg6[%add3A_49, %dma_start3A_50] : memref<10240x128xf32, #tpu.memory_space<vmem_shared>> -> memref<16x128xf32, #tpu.memory_space<vmem_shared>>
    %dma_start3A_52 = arith.constant 0 : i32
    %dma_start3A_53 = tpu.memref_slice %arg6[%add3A_49, %dma_start3A_52] : memref<10240x128xf32, #tpu.memory_space<vmem_shared>> -> memref<16x128xf32, #tpu.memory_space<vmem_shared>>
    tpu.enqueue_dma source(%arg11 : memref<16x128xf32, #tpu.memory_space<vmem>>) target(%dma_start3A_53 : memref<16x128xf32, #tpu.memory_space<vmem_shared>>) target_semaphore(%arg14 : memref<!tpu.dma_semaphore, #tpu.memory_space<semaphore_mem>>)
    %add3A_54 = arith.constant 80 : i32
    %add3A_55 = arith.addi %multiple_of3A, %add3A_54 : i32
    %dma_start3A_56 = arith.constant 0 : i32
    %dma_start3A_57 = tpu.memref_slice %arg6[%add3A_55, %dma_start3A_56] : memref<10240x128xf32, #tpu.memory_space<vmem_shared>> -> memref<16x128xf32, #tpu.memory_space<vmem_shared>>
    %dma_start3A_58 = arith.constant 0 : i32
    %dma_start3A_59 = tpu.memref_slice %arg6[%add3A_55, %dma_start3A_58] : memref<10240x128xf32, #tpu.memory_space<vmem_shared>> -> memref<16x128xf32, #tpu.memory_space<vmem_shared>>
    tpu.enqueue_dma source(%arg11 : memref<16x128xf32, #tpu.memory_space<vmem>>) target(%dma_start3A_59 : memref<16x128xf32, #tpu.memory_space<vmem_shared>>) target_semaphore(%arg14 : memref<!tpu.dma_semaphore, #tpu.memory_space<semaphore_mem>>)
    %add3A_60 = arith.constant 96 : i32
    %add3A_61 = arith.addi %multiple_of3A, %add3A_60 : i32
    %dma_start3A_62 = arith.constant 0 : i32
    %dma_start3A_63 = tpu.memref_slice %arg6[%add3A_61, %dma_start3A_62] : memref<10240x128xf32, #tpu.memory_space<vmem_shared>> -> memref<16x128xf32, #tpu.memory_space<vmem_shared>>
    %dma_start3A_64 = arith.constant 0 : i32
    %dma_start3A_65 = tpu.memref_slice %arg6[%add3A_61, %dma_start3A_64] : memref<10240x128xf32, #tpu.memory_space<vmem_shared>> -> memref<16x128xf32, #tpu.memory_space<vmem_shared>>
    tpu.enqueue_dma source(%arg11 : memref<16x128xf32, #tpu.memory_space<vmem>>) target(%dma_start3A_65 : memref<16x128xf32, #tpu.memory_space<vmem_shared>>) target_semaphore(%arg14 : memref<!tpu.dma_semaphore, #tpu.memory_space<semaphore_mem>>)
    %add3A_66 = arith.constant 112 : i32
    %add3A_67 = arith.addi %multiple_of3A, %add3A_66 : i32
    %dma_start3A_68 = arith.constant 0 : i32
    %dma_start3A_69 = tpu.memref_slice %arg6[%add3A_67, %dma_start3A_68] : memref<10240x128xf32, #tpu.memory_space<vmem_shared>> -> memref<16x128xf32, #tpu.memory_space<vmem_shared>>
    %dma_start3A_70 = arith.constant 0 : i32
    %dma_start3A_71 = tpu.memref_slice %arg6[%add3A_67, %dma_start3A_70] : memref<10240x128xf32, #tpu.memory_space<vmem_shared>> -> memref<16x128xf32, #tpu.memory_space<vmem_shared>>
    tpu.enqueue_dma source(%arg11 : memref<16x128xf32, #tpu.memory_space<vmem>>) target(%dma_start3A_71 : memref<16x128xf32, #tpu.memory_space<vmem_shared>>) target_semaphore(%arg14 : memref<!tpu.dma_semaphore, #tpu.memory_space<semaphore_mem>>)
    %add3A_72 = arith.constant 128 : i32
    %add3A_73 = arith.addi %multiple_of3A, %add3A_72 : i32
    %dma_start3A_74 = arith.constant 0 : i32
    %dma_start3A_75 = tpu.memref_slice %arg6[%add3A_73, %dma_start3A_74] : memref<10240x128xf32, #tpu.memory_space<vmem_shared>> -> memref<16x128xf32, #tpu.memory_space<vmem_shared>>
    %dma_start3A_76 = arith.constant 0 : i32
    %dma_start3A_77 = tpu.memref_slice %arg6[%add3A_73, %dma_start3A_76] : memref<10240x128xf32, #tpu.memory_space<vmem_shared>> -> memref<16x128xf32, #tpu.memory_space<vmem_shared>>
    tpu.enqueue_dma source(%arg11 : memref<16x128xf32, #tpu.memory_space<vmem>>) target(%dma_start3A_77 : memref<16x128xf32, #tpu.memory_space<vmem_shared>>) target_semaphore(%arg14 : memref<!tpu.dma_semaphore, #tpu.memory_space<semaphore_mem>>)
    %add3A_78 = arith.constant 144 : i32
    %add3A_79 = arith.addi %multiple_of3A, %add3A_78 : i32
    %dma_start3A_80 = arith.constant 0 : i32
    %dma_start3A_81 = tpu.memref_slice %arg6[%add3A_79, %dma_start3A_80] : memref<10240x128xf32, #tpu.memory_space<vmem_shared>> -> memref<16x128xf32, #tpu.memory_space<vmem_shared>>
    %dma_start3A_82 = arith.constant 0 : i32
    %dma_start3A_83 = tpu.memref_slice %arg6[%add3A_79, %dma_start3A_82] : memref<10240x128xf32, #tpu.memory_space<vmem_shared>> -> memref<16x128xf32, #tpu.memory_space<vmem_shared>>
    tpu.enqueue_dma source(%arg11 : memref<16x128xf32, #tpu.memory_space<vmem>>) target(%dma_start3A_83 : memref<16x128xf32, #tpu.memory_space<vmem_shared>>) target_semaphore(%arg14 : memref<!tpu.dma_semaphore, #tpu.memory_space<semaphore_mem>>)
    %add3A_84 = arith.constant 160 : i32
    %add3A_85 = arith.addi %multiple_of3A, %add3A_84 : i32
    %dma_start3A_86 = arith.constant 0 : i32
    %dma_start3A_87 = tpu.memref_slice %arg6[%add3A_85, %dma_start3A_86] : memref<10240x128xf32, #tpu.memory_space<vmem_shared>> -> memref<16x128xf32, #tpu.memory_space<vmem_shared>>
    %dma_start3A_88 = arith.constant 0 : i32
    %dma_start3A_89 = tpu.memref_slice %arg6[%add3A_85, %dma_start3A_88] : memref<10240x128xf32, #tpu.memory_space<vmem_shared>> -> memref<16x128xf32, #tpu.memory_space<vmem_shared>>
    tpu.enqueue_dma source(%arg11 : memref<16x128xf32, #tpu.memory_space<vmem>>) target(%dma_start3A_89 : memref<16x128xf32, #tpu.memory_space<vmem_shared>>) target_semaphore(%arg14 : memref<!tpu.dma_semaphore, #tpu.memory_space<semaphore_mem>>)
    %add3A_90 = arith.constant 176 : i32
    %add3A_91 = arith.addi %multiple_of3A, %add3A_90 : i32
    %dma_start3A_92 = arith.constant 0 : i32
    %dma_start3A_93 = tpu.memref_slice %arg6[%add3A_91, %dma_start3A_92] : memref<10240x128xf32, #tpu.memory_space<vmem_shared>> -> memref<16x128xf32, #tpu.memory_space<vmem_shared>>
    %dma_start3A_94 = arith.constant 0 : i32
    %dma_start3A_95 = tpu.memref_slice %arg6[%add3A_91, %dma_start3A_94] : memref<10240x128xf32, #tpu.memory_space<vmem_shared>> -> memref<16x128xf32, #tpu.memory_space<vmem_shared>>
    tpu.enqueue_dma source(%arg11 : memref<16x128xf32, #tpu.memory_space<vmem>>) target(%dma_start3A_95 : memref<16x128xf32, #tpu.memory_space<vmem_shared>>) target_semaphore(%arg14 : memref<!tpu.dma_semaphore, #tpu.memory_space<semaphore_mem>>)
    %add3A_96 = arith.constant 192 : i32
    %add3A_97 = arith.addi %multiple_of3A, %add3A_96 : i32
    %dma_start3A_98 = arith.constant 0 : i32
    %dma_start3A_99 = tpu.memref_slice %arg6[%add3A_97, %dma_start3A_98] : memref<10240x128xf32, #tpu.memory_space<vmem_shared>> -> memref<16x128xf32, #tpu.memory_space<vmem_shared>>
    %dma_start3A_100 = arith.constant 0 : i32
    %dma_start3A_101 = tpu.memref_slice %arg6[%add3A_97, %dma_start3A_100] : memref<10240x128xf32, #tpu.memory_space<vmem_shared>> -> memref<16x128xf32, #tpu.memory_space<vmem_shared>>
    tpu.enqueue_dma source(%arg11 : memref<16x128xf32, #tpu.memory_space<vmem>>) target(%dma_start3A_101 : memref<16x128xf32, #tpu.memory_space<vmem_shared>>) target_semaphore(%arg14 : memref<!tpu.dma_semaphore, #tpu.memory_space<semaphore_mem>>)
    %add3A_102 = arith.constant 208 : i32
    %add3A_103 = arith.addi %multiple_of3A, %add3A_102 : i32
    %dma_start3A_104 = arith.constant 0 : i32
    %dma_start3A_105 = tpu.memref_slice %arg6[%add3A_103, %dma_start3A_104] : memref<10240x128xf32, #tpu.memory_space<vmem_shared>> -> memref<16x128xf32, #tpu.memory_space<vmem_shared>>
    %dma_start3A_106 = arith.constant 0 : i32
    %dma_start3A_107 = tpu.memref_slice %arg6[%add3A_103, %dma_start3A_106] : memref<10240x128xf32, #tpu.memory_space<vmem_shared>> -> memref<16x128xf32, #tpu.memory_space<vmem_shared>>
    tpu.enqueue_dma source(%arg11 : memref<16x128xf32, #tpu.memory_space<vmem>>) target(%dma_start3A_107 : memref<16x128xf32, #tpu.memory_space<vmem_shared>>) target_semaphore(%arg14 : memref<!tpu.dma_semaphore, #tpu.memory_space<semaphore_mem>>)
    %add3A_108 = arith.constant 224 : i32
    %add3A_109 = arith.addi %multiple_of3A, %add3A_108 : i32
    %dma_start3A_110 = arith.constant 0 : i32
    %dma_start3A_111 = tpu.memref_slice %arg6[%add3A_109, %dma_start3A_110] : memref<10240x128xf32, #tpu.memory_space<vmem_shared>> -> memref<16x128xf32, #tpu.memory_space<vmem_shared>>
    %dma_start3A_112 = arith.constant 0 : i32
    %dma_start3A_113 = tpu.memref_slice %arg6[%add3A_109, %dma_start3A_112] : memref<10240x128xf32, #tpu.memory_space<vmem_shared>> -> memref<16x128xf32, #tpu.memory_space<vmem_shared>>
    tpu.enqueue_dma source(%arg11 : memref<16x128xf32, #tpu.memory_space<vmem>>) target(%dma_start3A_113 : memref<16x128xf32, #tpu.memory_space<vmem_shared>>) target_semaphore(%arg14 : memref<!tpu.dma_semaphore, #tpu.memory_space<semaphore_mem>>)
    %add3A_114 = arith.constant 240 : i32
    %add3A_115 = arith.addi %multiple_of3A, %add3A_114 : i32
    %dma_start3A_116 = arith.constant 0 : i32
    %dma_start3A_117 = tpu.memref_slice %arg6[%add3A_115, %dma_start3A_116] : memref<10240x128xf32, #tpu.memory_space<vmem_shared>> -> memref<16x128xf32, #tpu.memory_space<vmem_shared>>
    %dma_start3A_118 = arith.constant 0 : i32
    %dma_start3A_119 = tpu.memref_slice %arg6[%add3A_115, %dma_start3A_118] : memref<10240x128xf32, #tpu.memory_space<vmem_shared>> -> memref<16x128xf32, #tpu.memory_space<vmem_shared>>
    tpu.enqueue_dma source(%arg11 : memref<16x128xf32, #tpu.memory_space<vmem>>) target(%dma_start3A_119 : memref<16x128xf32, #tpu.memory_space<vmem_shared>>) target_semaphore(%arg14 : memref<!tpu.dma_semaphore, #tpu.memory_space<semaphore_mem>>)
    %add3A_120 = arith.constant 256 : i32
    %add3A_121 = arith.addi %multiple_of3A, %add3A_120 : i32
    %dma_start3A_122 = arith.constant 0 : i32
    %dma_start3A_123 = tpu.memref_slice %arg6[%add3A_121, %dma_start3A_122] : memref<10240x128xf32, #tpu.memory_space<vmem_shared>> -> memref<16x128xf32, #tpu.memory_space<vmem_shared>>
    %dma_start3A_124 = arith.constant 0 : i32
    %dma_start3A_125 = tpu.memref_slice %arg6[%add3A_121, %dma_start3A_124] : memref<10240x128xf32, #tpu.memory_space<vmem_shared>> -> memref<16x128xf32, #tpu.memory_space<vmem_shared>>
    tpu.enqueue_dma source(%arg11 : memref<16x128xf32, #tpu.memory_space<vmem>>) target(%dma_start3A_125 : memref<16x128xf32, #tpu.memory_space<vmem_shared>>) target_semaphore(%arg14 : memref<!tpu.dma_semaphore, #tpu.memory_space<semaphore_mem>>)
    %add3A_126 = arith.constant 272 : i32
    %add3A_127 = arith.addi %multiple_of3A, %add3A_126 : i32
    %dma_start3A_128 = arith.constant 0 : i32
    %dma_start3A_129 = tpu.memref_slice %arg6[%add3A_127, %dma_start3A_128] : memref<10240x128xf32, #tpu.memory_space<vmem_shared>> -> memref<16x128xf32, #tpu.memory_space<vmem_shared>>
    %dma_start3A_130 = arith.constant 0 : i32
    %dma_start3A_131 = tpu.memref_slice %arg6[%add3A_127, %dma_start3A_130] : memref<10240x128xf32, #tpu.memory_space<vmem_shared>> -> memref<16x128xf32, #tpu.memory_space<vmem_shared>>
    tpu.enqueue_dma source(%arg11 : memref<16x128xf32, #tpu.memory_space<vmem>>) target(%dma_start3A_131 : memref<16x128xf32, #tpu.memory_space<vmem_shared>>) target_semaphore(%arg14 : memref<!tpu.dma_semaphore, #tpu.memory_space<semaphore_mem>>)
    %add3A_132 = arith.constant 288 : i32
    %add3A_133 = arith.addi %multiple_of3A, %add3A_132 : i32
    %dma_start3A_134 = arith.constant 0 : i32
    %dma_start3A_135 = tpu.memref_slice %arg6[%add3A_133, %dma_start3A_134] : memref<10240x128xf32, #tpu.memory_space<vmem_shared>> -> memref<16x128xf32, #tpu.memory_space<vmem_shared>>
    %dma_start3A_136 = arith.constant 0 : i32
    %dma_start3A_137 = tpu.memref_slice %arg6[%add3A_133, %dma_start3A_136] : memref<10240x128xf32, #tpu.memory_space<vmem_shared>> -> memref<16x128xf32, #tpu.memory_space<vmem_shared>>
    tpu.enqueue_dma source(%arg11 : memref<16x128xf32, #tpu.memory_space<vmem>>) target(%dma_start3A_137 : memref<16x128xf32, #tpu.memory_space<vmem_shared>>) target_semaphore(%arg14 : memref<!tpu.dma_semaphore, #tpu.memory_space<semaphore_mem>>)
    %add3A_138 = arith.constant 304 : i32
    %add3A_139 = arith.addi %multiple_of3A, %add3A_138 : i32
    %dma_start3A_140 = arith.constant 0 : i32
    %dma_start3A_141 = tpu.memref_slice %arg6[%add3A_139, %dma_start3A_140] : memref<10240x128xf32, #tpu.memory_space<vmem_shared>> -> memref<16x128xf32, #tpu.memory_space<vmem_shared>>
    %dma_start3A_142 = arith.constant 0 : i32
    %dma_start3A_143 = tpu.memref_slice %arg6[%add3A_139, %dma_start3A_142] : memref<10240x128xf32, #tpu.memory_space<vmem_shared>> -> memref<16x128xf32, #tpu.memory_space<vmem_shared>>
    tpu.enqueue_dma source(%arg11 : memref<16x128xf32, #tpu.memory_space<vmem>>) target(%dma_start3A_143 : memref<16x128xf32, #tpu.memory_space<vmem_shared>>) target_semaphore(%arg14 : memref<!tpu.dma_semaphore, #tpu.memory_space<semaphore_mem>>)
    %add3A_144 = arith.constant 320 : i32
    %add3A_145 = arith.addi %multiple_of3A, %add3A_144 : i32
    %dma_start3A_146 = arith.constant 0 : i32
    %dma_start3A_147 = tpu.memref_slice %arg6[%add3A_145, %dma_start3A_146] : memref<10240x128xf32, #tpu.memory_space<vmem_shared>> -> memref<16x128xf32, #tpu.memory_space<vmem_shared>>
    %dma_start3A_148 = arith.constant 0 : i32
    %dma_start3A_149 = tpu.memref_slice %arg6[%add3A_145, %dma_start3A_148] : memref<10240x128xf32, #tpu.memory_space<vmem_shared>> -> memref<16x128xf32, #tpu.memory_space<vmem_shared>>
    tpu.enqueue_dma source(%arg11 : memref<16x128xf32, #tpu.memory_space<vmem>>) target(%dma_start3A_149 : memref<16x128xf32, #tpu.memory_space<vmem_shared>>) target_semaphore(%arg14 : memref<!tpu.dma_semaphore, #tpu.memory_space<semaphore_mem>>)
    %add3A_150 = arith.constant 336 : i32
    %add3A_151 = arith.addi %multiple_of3A, %add3A_150 : i32
    %dma_start3A_152 = arith.constant 0 : i32
    %dma_start3A_153 = tpu.memref_slice %arg6[%add3A_151, %dma_start3A_152] : memref<10240x128xf32, #tpu.memory_space<vmem_shared>> -> memref<16x128xf32, #tpu.memory_space<vmem_shared>>
    %dma_start3A_154 = arith.constant 0 : i32
    %dma_start3A_155 = tpu.memref_slice %arg6[%add3A_151, %dma_start3A_154] : memref<10240x128xf32, #tpu.memory_space<vmem_shared>> -> memref<16x128xf32, #tpu.memory_space<vmem_shared>>
    tpu.enqueue_dma source(%arg11 : memref<16x128xf32, #tpu.memory_space<vmem>>) target(%dma_start3A_155 : memref<16x128xf32, #tpu.memory_space<vmem_shared>>) target_semaphore(%arg14 : memref<!tpu.dma_semaphore, #tpu.memory_space<semaphore_mem>>)
    %add3A_156 = arith.constant 352 : i32
    %add3A_157 = arith.addi %multiple_of3A, %add3A_156 : i32
    %dma_start3A_158 = arith.constant 0 : i32
    %dma_start3A_159 = tpu.memref_slice %arg6[%add3A_157, %dma_start3A_158] : memref<10240x128xf32, #tpu.memory_space<vmem_shared>> -> memref<16x128xf32, #tpu.memory_space<vmem_shared>>
    %dma_start3A_160 = arith.constant 0 : i32
    %dma_start3A_161 = tpu.memref_slice %arg6[%add3A_157, %dma_start3A_160] : memref<10240x128xf32, #tpu.memory_space<vmem_shared>> -> memref<16x128xf32, #tpu.memory_space<vmem_shared>>
    tpu.enqueue_dma source(%arg11 : memref<16x128xf32, #tpu.memory_space<vmem>>) target(%dma_start3A_161 : memref<16x128xf32, #tpu.memory_space<vmem_shared>>) target_semaphore(%arg14 : memref<!tpu.dma_semaphore, #tpu.memory_space<semaphore_mem>>)
    %add3A_162 = arith.constant 368 : i32
    %add3A_163 = arith.addi %multiple_of3A, %add3A_162 : i32
    %dma_start3A_164 = arith.constant 0 : i32
    %dma_start3A_165 = tpu.memref_slice %arg6[%add3A_163, %dma_start3A_164] : memref<10240x128xf32, #tpu.memory_space<vmem_shared>> -> memref<16x128xf32, #tpu.memory_space<vmem_shared>>
    %dma_start3A_166 = arith.constant 0 : i32
    %dma_start3A_167 = tpu.memref_slice %arg6[%add3A_163, %dma_start3A_166] : memref<10240x128xf32, #tpu.memory_space<vmem_shared>> -> memref<16x128xf32, #tpu.memory_space<vmem_shared>>
    tpu.enqueue_dma source(%arg11 : memref<16x128xf32, #tpu.memory_space<vmem>>) target(%dma_start3A_167 : memref<16x128xf32, #tpu.memory_space<vmem_shared>>) target_semaphore(%arg14 : memref<!tpu.dma_semaphore, #tpu.memory_space<semaphore_mem>>)
    %add3A_168 = arith.constant 384 : i32
    %add3A_169 = arith.addi %multiple_of3A, %add3A_168 : i32
    %dma_start3A_170 = arith.constant 0 : i32
    %dma_start3A_171 = tpu.memref_slice %arg6[%add3A_169, %dma_start3A_170] : memref<10240x128xf32, #tpu.memory_space<vmem_shared>> -> memref<16x128xf32, #tpu.memory_space<vmem_shared>>
    %dma_start3A_172 = arith.constant 0 : i32
    %dma_start3A_173 = tpu.memref_slice %arg6[%add3A_169, %dma_start3A_172] : memref<10240x128xf32, #tpu.memory_space<vmem_shared>> -> memref<16x128xf32, #tpu.memory_space<vmem_shared>>
    tpu.enqueue_dma source(%arg11 : memref<16x128xf32, #tpu.memory_space<vmem>>) target(%dma_start3A_173 : memref<16x128xf32, #tpu.memory_space<vmem_shared>>) target_semaphore(%arg14 : memref<!tpu.dma_semaphore, #tpu.memory_space<semaphore_mem>>)
    %add3A_174 = arith.constant 400 : i32
    %add3A_175 = arith.addi %multiple_of3A, %add3A_174 : i32
    %dma_start3A_176 = arith.constant 0 : i32
    %dma_start3A_177 = tpu.memref_slice %arg6[%add3A_175, %dma_start3A_176] : memref<10240x128xf32, #tpu.memory_space<vmem_shared>> -> memref<16x128xf32, #tpu.memory_space<vmem_shared>>
    %dma_start3A_178 = arith.constant 0 : i32
    %dma_start3A_179 = tpu.memref_slice %arg6[%add3A_175, %dma_start3A_178] : memref<10240x128xf32, #tpu.memory_space<vmem_shared>> -> memref<16x128xf32, #tpu.memory_space<vmem_shared>>
    tpu.enqueue_dma source(%arg11 : memref<16x128xf32, #tpu.memory_space<vmem>>) target(%dma_start3A_179 : memref<16x128xf32, #tpu.memory_space<vmem_shared>>) target_semaphore(%arg14 : memref<!tpu.dma_semaphore, #tpu.memory_space<semaphore_mem>>)
    %add3A_180 = arith.constant 416 : i32
    %add3A_181 = arith.addi %multiple_of3A, %add3A_180 : i32
    %dma_start3A_182 = arith.constant 0 : i32
    %dma_start3A_183 = tpu.memref_slice %arg6[%add3A_181, %dma_start3A_182] : memref<10240x128xf32, #tpu.memory_space<vmem_shared>> -> memref<16x128xf32, #tpu.memory_space<vmem_shared>>
    %dma_start3A_184 = arith.constant 0 : i32
    %dma_start3A_185 = tpu.memref_slice %arg6[%add3A_181, %dma_start3A_184] : memref<10240x128xf32, #tpu.memory_space<vmem_shared>> -> memref<16x128xf32, #tpu.memory_space<vmem_shared>>
    tpu.enqueue_dma source(%arg11 : memref<16x128xf32, #tpu.memory_space<vmem>>) target(%dma_start3A_185 : memref<16x128xf32, #tpu.memory_space<vmem_shared>>) target_semaphore(%arg14 : memref<!tpu.dma_semaphore, #tpu.memory_space<semaphore_mem>>)
    %add3A_186 = arith.constant 432 : i32
    %add3A_187 = arith.addi %multiple_of3A, %add3A_186 : i32
    %dma_start3A_188 = arith.constant 0 : i32
    %dma_start3A_189 = tpu.memref_slice %arg6[%add3A_187, %dma_start3A_188] : memref<10240x128xf32, #tpu.memory_space<vmem_shared>> -> memref<16x128xf32, #tpu.memory_space<vmem_shared>>
    %dma_start3A_190 = arith.constant 0 : i32
    %dma_start3A_191 = tpu.memref_slice %arg6[%add3A_187, %dma_start3A_190] : memref<10240x128xf32, #tpu.memory_space<vmem_shared>> -> memref<16x128xf32, #tpu.memory_space<vmem_shared>>
    tpu.enqueue_dma source(%arg11 : memref<16x128xf32, #tpu.memory_space<vmem>>) target(%dma_start3A_191 : memref<16x128xf32, #tpu.memory_space<vmem_shared>>) target_semaphore(%arg14 : memref<!tpu.dma_semaphore, #tpu.memory_space<semaphore_mem>>)
    %add3A_192 = arith.constant 448 : i32
    %add3A_193 = arith.addi %multiple_of3A, %add3A_192 : i32
    %dma_start3A_194 = arith.constant 0 : i32
    %dma_start3A_195 = tpu.memref_slice %arg6[%add3A_193, %dma_start3A_194] : memref<10240x128xf32, #tpu.memory_space<vmem_shared>> -> memref<16x128xf32, #tpu.memory_space<vmem_shared>>
    %dma_start3A_196 = arith.constant 0 : i32
    %dma_start3A_197 = tpu.memref_slice %arg6[%add3A_193, %dma_start3A_196] : memref<10240x128xf32, #tpu.memory_space<vmem_shared>> -> memref<16x128xf32, #tpu.memory_space<vmem_shared>>
    tpu.enqueue_dma source(%arg11 : memref<16x128xf32, #tpu.memory_space<vmem>>) target(%dma_start3A_197 : memref<16x128xf32, #tpu.memory_space<vmem_shared>>) target_semaphore(%arg14 : memref<!tpu.dma_semaphore, #tpu.memory_space<semaphore_mem>>)
    %add3A_198 = arith.constant 464 : i32
    %add3A_199 = arith.addi %multiple_of3A, %add3A_198 : i32
    %dma_start3A_200 = arith.constant 0 : i32
    %dma_start3A_201 = tpu.memref_slice %arg6[%add3A_199, %dma_start3A_200] : memref<10240x128xf32, #tpu.memory_space<vmem_shared>> -> memref<16x128xf32, #tpu.memory_space<vmem_shared>>
    %dma_start3A_202 = arith.constant 0 : i32
    %dma_start3A_203 = tpu.memref_slice %arg6[%add3A_199, %dma_start3A_202] : memref<10240x128xf32, #tpu.memory_space<vmem_shared>> -> memref<16x128xf32, #tpu.memory_space<vmem_shared>>
    tpu.enqueue_dma source(%arg11 : memref<16x128xf32, #tpu.memory_space<vmem>>) target(%dma_start3A_203 : memref<16x128xf32, #tpu.memory_space<vmem_shared>>) target_semaphore(%arg14 : memref<!tpu.dma_semaphore, #tpu.memory_space<semaphore_mem>>)
    %add3A_204 = arith.constant 480 : i32
    %add3A_205 = arith.addi %multiple_of3A, %add3A_204 : i32
    %dma_start3A_206 = arith.constant 0 : i32
    %dma_start3A_207 = tpu.memref_slice %arg6[%add3A_205, %dma_start3A_206] : memref<10240x128xf32, #tpu.memory_space<vmem_shared>> -> memref<16x128xf32, #tpu.memory_space<vmem_shared>>
    %dma_start3A_208 = arith.constant 0 : i32
    %dma_start3A_209 = tpu.memref_slice %arg6[%add3A_205, %dma_start3A_208] : memref<10240x128xf32, #tpu.memory_space<vmem_shared>> -> memref<16x128xf32, #tpu.memory_space<vmem_shared>>
    tpu.enqueue_dma source(%arg11 : memref<16x128xf32, #tpu.memory_space<vmem>>) target(%dma_start3A_209 : memref<16x128xf32, #tpu.memory_space<vmem_shared>>) target_semaphore(%arg14 : memref<!tpu.dma_semaphore, #tpu.memory_space<semaphore_mem>>)
    %add3A_210 = arith.constant 496 : i32
    %add3A_211 = arith.addi %multiple_of3A, %add3A_210 : i32
    %dma_start3A_212 = arith.constant 0 : i32
    %dma_start3A_213 = tpu.memref_slice %arg6[%add3A_211, %dma_start3A_212] : memref<10240x128xf32, #tpu.memory_space<vmem_shared>> -> memref<16x128xf32, #tpu.memory_space<vmem_shared>>
    %dma_start3A_214 = arith.constant 0 : i32
    %dma_start3A_215 = tpu.memref_slice %arg6[%add3A_211, %dma_start3A_214] : memref<10240x128xf32, #tpu.memory_space<vmem_shared>> -> memref<16x128xf32, #tpu.memory_space<vmem_shared>>
    tpu.enqueue_dma source(%arg11 : memref<16x128xf32, #tpu.memory_space<vmem>>) target(%dma_start3A_215 : memref<16x128xf32, #tpu.memory_space<vmem_shared>>) target_semaphore(%arg14 : memref<!tpu.dma_semaphore, #tpu.memory_space<semaphore_mem>>)
    %add3A_216 = arith.constant 512 : i32
    %add3A_217 = arith.addi %multiple_of3A, %add3A_216 : i32
    %dma_start3A_218 = arith.constant 0 : i32
    %dma_start3A_219 = tpu.memref_slice %arg6[%add3A_217, %dma_start3A_218] : memref<10240x128xf32, #tpu.memory_space<vmem_shared>> -> memref<16x128xf32, #tpu.memory_space<vmem_shared>>
    %dma_start3A_220 = arith.constant 0 : i32
    %dma_start3A_221 = tpu.memref_slice %arg6[%add3A_217, %dma_start3A_220] : memref<10240x128xf32, #tpu.memory_space<vmem_shared>> -> memref<16x128xf32, #tpu.memory_space<vmem_shared>>
    tpu.enqueue_dma source(%arg11 : memref<16x128xf32, #tpu.memory_space<vmem>>) target(%dma_start3A_221 : memref<16x128xf32, #tpu.memory_space<vmem_shared>>) target_semaphore(%arg14 : memref<!tpu.dma_semaphore, #tpu.memory_space<semaphore_mem>>)
    %add3A_222 = arith.constant 528 : i32
    %add3A_223 = arith.addi %multiple_of3A, %add3A_222 : i32
    %dma_start3A_224 = arith.constant 0 : i32
    %dma_start3A_225 = tpu.memref_slice %arg6[%add3A_223, %dma_start3A_224] : memref<10240x128xf32, #tpu.memory_space<vmem_shared>> -> memref<16x128xf32, #tpu.memory_space<vmem_shared>>
    %dma_start3A_226 = arith.constant 0 : i32
    %dma_start3A_227 = tpu.memref_slice %arg6[%add3A_223, %dma_start3A_226] : memref<10240x128xf32, #tpu.memory_space<vmem_shared>> -> memref<16x128xf32, #tpu.memory_space<vmem_shared>>
    tpu.enqueue_dma source(%arg11 : memref<16x128xf32, #tpu.memory_space<vmem>>) target(%dma_start3A_227 : memref<16x128xf32, #tpu.memory_space<vmem_shared>>) target_semaphore(%arg14 : memref<!tpu.dma_semaphore, #tpu.memory_space<semaphore_mem>>)
    %add3A_228 = arith.constant 544 : i32
    %add3A_229 = arith.addi %multiple_of3A, %add3A_228 : i32
    %dma_start3A_230 = arith.constant 0 : i32
    %dma_start3A_231 = tpu.memref_slice %arg6[%add3A_229, %dma_start3A_230] : memref<10240x128xf32, #tpu.memory_space<vmem_shared>> -> memref<16x128xf32, #tpu.memory_space<vmem_shared>>
    %dma_start3A_232 = arith.constant 0 : i32
    %dma_start3A_233 = tpu.memref_slice %arg6[%add3A_229, %dma_start3A_232] : memref<10240x128xf32, #tpu.memory_space<vmem_shared>> -> memref<16x128xf32, #tpu.memory_space<vmem_shared>>
    tpu.enqueue_dma source(%arg11 : memref<16x128xf32, #tpu.memory_space<vmem>>) target(%dma_start3A_233 : memref<16x128xf32, #tpu.memory_space<vmem_shared>>) target_semaphore(%arg14 : memref<!tpu.dma_semaphore, #tpu.memory_space<semaphore_mem>>)
    %add3A_234 = arith.constant 560 : i32
    %add3A_235 = arith.addi %multiple_of3A, %add3A_234 : i32
    %dma_start3A_236 = arith.constant 0 : i32
    %dma_start3A_237 = tpu.memref_slice %arg6[%add3A_235, %dma_start3A_236] : memref<10240x128xf32, #tpu.memory_space<vmem_shared>> -> memref<16x128xf32, #tpu.memory_space<vmem_shared>>
    %dma_start3A_238 = arith.constant 0 : i32
    %dma_start3A_239 = tpu.memref_slice %arg6[%add3A_235, %dma_start3A_238] : memref<10240x128xf32, #tpu.memory_space<vmem_shared>> -> memref<16x128xf32, #tpu.memory_space<vmem_shared>>
    tpu.enqueue_dma source(%arg11 : memref<16x128xf32, #tpu.memory_space<vmem>>) target(%dma_start3A_239 : memref<16x128xf32, #tpu.memory_space<vmem_shared>>) target_semaphore(%arg14 : memref<!tpu.dma_semaphore, #tpu.memory_space<semaphore_mem>>)
    %add3A_240 = arith.constant 576 : i32
    %add3A_241 = arith.addi %multiple_of3A, %add3A_240 : i32
    %dma_start3A_242 = arith.constant 0 : i32
    %dma_start3A_243 = tpu.memref_slice %arg6[%add3A_241, %dma_start3A_242] : memref<10240x128xf32, #tpu.memory_space<vmem_shared>> -> memref<16x128xf32, #tpu.memory_space<vmem_shared>>
    %dma_start3A_244 = arith.constant 0 : i32
    %dma_start3A_245 = tpu.memref_slice %arg6[%add3A_241, %dma_start3A_244] : memref<10240x128xf32, #tpu.memory_space<vmem_shared>> -> memref<16x128xf32, #tpu.memory_space<vmem_shared>>
    tpu.enqueue_dma source(%arg11 : memref<16x128xf32, #tpu.memory_space<vmem>>) target(%dma_start3A_245 : memref<16x128xf32, #tpu.memory_space<vmem_shared>>) target_semaphore(%arg14 : memref<!tpu.dma_semaphore, #tpu.memory_space<semaphore_mem>>)
    %add3A_246 = arith.constant 592 : i32
    %add3A_247 = arith.addi %multiple_of3A, %add3A_246 : i32
    %dma_start3A_248 = arith.constant 0 : i32
    %dma_start3A_249 = tpu.memref_slice %arg6[%add3A_247, %dma_start3A_248] : memref<10240x128xf32, #tpu.memory_space<vmem_shared>> -> memref<16x128xf32, #tpu.memory_space<vmem_shared>>
    %dma_start3A_250 = arith.constant 0 : i32
    %dma_start3A_251 = tpu.memref_slice %arg6[%add3A_247, %dma_start3A_250] : memref<10240x128xf32, #tpu.memory_space<vmem_shared>> -> memref<16x128xf32, #tpu.memory_space<vmem_shared>>
    tpu.enqueue_dma source(%arg11 : memref<16x128xf32, #tpu.memory_space<vmem>>) target(%dma_start3A_251 : memref<16x128xf32, #tpu.memory_space<vmem_shared>>) target_semaphore(%arg14 : memref<!tpu.dma_semaphore, #tpu.memory_space<semaphore_mem>>)
    %add3A_252 = arith.constant 608 : i32
    %add3A_253 = arith.addi %multiple_of3A, %add3A_252 : i32
    %dma_start3A_254 = arith.constant 0 : i32
    %dma_start3A_255 = tpu.memref_slice %arg6[%add3A_253, %dma_start3A_254] : memref<10240x128xf32, #tpu.memory_space<vmem_shared>> -> memref<16x128xf32, #tpu.memory_space<vmem_shared>>
    %dma_start3A_256 = arith.constant 0 : i32
    %dma_start3A_257 = tpu.memref_slice %arg6[%add3A_253, %dma_start3A_256] : memref<10240x128xf32, #tpu.memory_space<vmem_shared>> -> memref<16x128xf32, #tpu.memory_space<vmem_shared>>
    tpu.enqueue_dma source(%arg11 : memref<16x128xf32, #tpu.memory_space<vmem>>) target(%dma_start3A_257 : memref<16x128xf32, #tpu.memory_space<vmem_shared>>) target_semaphore(%arg14 : memref<!tpu.dma_semaphore, #tpu.memory_space<semaphore_mem>>)
    %add3A_258 = arith.constant 624 : i32
    %add3A_259 = arith.addi %multiple_of3A, %add3A_258 : i32
    %dma_start3A_260 = arith.constant 0 : i32
    %dma_start3A_261 = tpu.memref_slice %arg6[%add3A_259, %dma_start3A_260] : memref<10240x128xf32, #tpu.memory_space<vmem_shared>> -> memref<16x128xf32, #tpu.memory_space<vmem_shared>>
    %dma_start3A_262 = arith.constant 0 : i32
    %dma_start3A_263 = tpu.memref_slice %arg6[%add3A_259, %dma_start3A_262] : memref<10240x128xf32, #tpu.memory_space<vmem_shared>> -> memref<16x128xf32, #tpu.memory_space<vmem_shared>>
    tpu.enqueue_dma source(%arg11 : memref<16x128xf32, #tpu.memory_space<vmem>>) target(%dma_start3A_263 : memref<16x128xf32, #tpu.memory_space<vmem_shared>>) target_semaphore(%arg14 : memref<!tpu.dma_semaphore, #tpu.memory_space<semaphore_mem>>)
    %dma_wait3A = arith.constant 0 : i32
    %dma_wait3A_264 = arith.constant 0 : i32
    %dma_wait3A_265 = tpu.memref_slice %arg3[%dma_wait3A, %add3A, %dma_wait3A_264] : memref<2x32x10000xi32, #tpu.memory_space<hbm>> -> memref<1x1x10000xi32, #tpu.memory_space<hbm>>
    %dma_wait3A_266 = tpu.memref_squeeze %dma_wait3A_265 : memref<1x1x10000xi32, #tpu.memory_space<hbm>> -> memref<10000xi32, #tpu.memory_space<hbm>>
    %dma_wait3A_267 = arith.constant 0 : i32
    %dma_wait3A_268 = tpu.memref_slice %arg3[%dma_wait3A, %add3A, %dma_wait3A_267] : memref<2x32x10000xi32, #tpu.memory_space<hbm>> -> memref<1x1x10000xi32, #tpu.memory_space<hbm>>
    %dma_wait3A_269 = tpu.memref_squeeze %dma_wait3A_268 : memref<1x1x10000xi32, #tpu.memory_space<hbm>> -> memref<10000xi32, #tpu.memory_space<hbm>>
    tpu.wait_dma2 semaphore(%arg12 : memref<!tpu.dma_semaphore, #tpu.memory_space<semaphore_mem>>) src(%dma_wait3A_269 : memref<10000xi32, #tpu.memory_space<hbm>>) dst(%arg7 : memref<10000xi32, #tpu.memory_space<vmem>>)
    %dma_start3A_270 = arith.constant 0 : i32
    %dma_start3A_271 = tpu.memref_slice %arg7[%dma_start3A_270] : memref<10000xi32, #tpu.memory_space<vmem>> -> memref<80xi32, #tpu.memory_space<vmem>>
    %dma_start3A_272 = arith.constant 0 : i32
    %dma_start3A_273 = arith.constant 0 : i32
    %dma_start3A_274 = tpu.memref_slice %arg2[%dma_start3A_272, %dma_start3A_273] : memref<10000x128xf32, #tpu.memory_space<hbm>> -> memref<10000x128xf32, #tpu.memory_space<hbm>>
    tpu.enqueue_indirect_dma source(%dma_start3A_274 : memref<10000x128xf32, #tpu.memory_space<hbm>>) target(%arg9 : memref<80x128xf32, #tpu.memory_space<vmem>>) offsets(%dma_start3A_271 : memref<80xi32, #tpu.memory_space<vmem>>) semaphore(%arg12 : memref<!tpu.dma_semaphore, #tpu.memory_space<semaphore_mem>>)
    %dma_wait3A_275 = arith.constant 1 : i32
    %dma_wait3A_276 = arith.constant 0 : i32
    %dma_wait3A_277 = arith.constant 0 : i32
    %dma_wait3A_278 = tpu.memref_slice %arg4[%dma_wait3A_275, %add3A, %dma_wait3A_276, %dma_wait3A_277] : memref<2x32x125x80xi32, #tpu.memory_space<hbm>> -> memref<1x1x125x80xi32, #tpu.memory_space<hbm>>
    %dma_wait3A_279 = tpu.memref_squeeze %dma_wait3A_278 : memref<1x1x125x80xi32, #tpu.memory_space<hbm>> -> memref<125x80xi32, #tpu.memory_space<hbm>>
    %dma_wait3A_280 = arith.constant 0 : i32
    %dma_wait3A_281 = arith.constant 0 : i32
    %dma_wait3A_282 = tpu.memref_slice %arg4[%dma_wait3A_275, %add3A, %dma_wait3A_280, %dma_wait3A_281] : memref<2x32x125x80xi32, #tpu.memory_space<hbm>> -> memref<1x1x125x80xi32, #tpu.memory_space<hbm>>
    %dma_wait3A_283 = tpu.memref_squeeze %dma_wait3A_282 : memref<1x1x125x80xi32, #tpu.memory_space<hbm>> -> memref<125x80xi32, #tpu.memory_space<hbm>>
    tpu.wait_dma2 semaphore(%arg13 : memref<!tpu.dma_semaphore, #tpu.memory_space<semaphore_mem>>) src(%dma_wait3A_283 : memref<125x80xi32, #tpu.memory_space<hbm>>) dst(%arg8 : memref<125x80xi32, #tpu.memory_space<vmem>>)
    %dma_start3A_284 = arith.constant 80 : i32
    %dma_start3A_285 = tpu.memref_slice %arg7[%dma_start3A_284] : memref<10000xi32, #tpu.memory_space<vmem>> -> memref<80xi32, #tpu.memory_space<vmem>>
    %dma_start3A_286 = arith.constant 0 : i32
    %dma_start3A_287 = arith.constant 0 : i32
    %dma_start3A_288 = tpu.memref_slice %arg2[%dma_start3A_286, %dma_start3A_287] : memref<10000x128xf32, #tpu.memory_space<hbm>> -> memref<10000x128xf32, #tpu.memory_space<hbm>>
    tpu.enqueue_indirect_dma source(%dma_start3A_288 : memref<10000x128xf32, #tpu.memory_space<hbm>>) target(%arg10 : memref<80x128xf32, #tpu.memory_space<vmem>>) offsets(%dma_start3A_285 : memref<80xi32, #tpu.memory_space<vmem>>) semaphore(%arg13 : memref<!tpu.dma_semaphore, #tpu.memory_space<semaphore_mem>>)
    %add3A_289 = arith.constant 0 : i32
    %add3A_290 = arith.addi %multiple_of3A, %add3A_289 : i32
    %dma_wait3A_291 = arith.constant 0 : i32
    %dma_wait3A_292 = tpu.memref_slice %arg6[%add3A_290, %dma_wait3A_291] : memref<10240x128xf32, #tpu.memory_space<vmem_shared>> -> memref<16x128xf32, #tpu.memory_space<vmem_shared>>
    %dma_wait3A_293 = arith.constant 0 : i32
    %dma_wait3A_294 = tpu.memref_slice %arg6[%add3A_290, %dma_wait3A_293] : memref<10240x128xf32, #tpu.memory_space<vmem_shared>> -> memref<16x128xf32, #tpu.memory_space<vmem_shared>>
    tpu.wait_dma2 semaphore(%arg14 : memref<!tpu.dma_semaphore, #tpu.memory_space<semaphore_mem>>) src(%arg11 : memref<16x128xf32, #tpu.memory_space<vmem>>) dst(%dma_wait3A_294 : memref<16x128xf32, #tpu.memory_space<vmem_shared>>)
    %add3A_295 = arith.constant 16 : i32
    %add3A_296 = arith.addi %multiple_of3A, %add3A_295 : i32
    %dma_wait3A_297 = arith.constant 0 : i32
    %dma_wait3A_298 = tpu.memref_slice %arg6[%add3A_296, %dma_wait3A_297] : memref<10240x128xf32, #tpu.memory_space<vmem_shared>> -> memref<16x128xf32, #tpu.memory_space<vmem_shared>>
    %dma_wait3A_299 = arith.constant 0 : i32
    %dma_wait3A_300 = tpu.memref_slice %arg6[%add3A_296, %dma_wait3A_299] : memref<10240x128xf32, #tpu.memory_space<vmem_shared>> -> memref<16x128xf32, #tpu.memory_space<vmem_shared>>
    tpu.wait_dma2 semaphore(%arg14 : memref<!tpu.dma_semaphore, #tpu.memory_space<semaphore_mem>>) src(%arg11 : memref<16x128xf32, #tpu.memory_space<vmem>>) dst(%dma_wait3A_300 : memref<16x128xf32, #tpu.memory_space<vmem_shared>>)
    %add3A_301 = arith.constant 32 : i32
    %add3A_302 = arith.addi %multiple_of3A, %add3A_301 : i32
    %dma_wait3A_303 = arith.constant 0 : i32
    %dma_wait3A_304 = tpu.memref_slice %arg6[%add3A_302, %dma_wait3A_303] : memref<10240x128xf32, #tpu.memory_space<vmem_shared>> -> memref<16x128xf32, #tpu.memory_space<vmem_shared>>
    %dma_wait3A_305 = arith.constant 0 : i32
    %dma_wait3A_306 = tpu.memref_slice %arg6[%add3A_302, %dma_wait3A_305] : memref<10240x128xf32, #tpu.memory_space<vmem_shared>> -> memref<16x128xf32, #tpu.memory_space<vmem_shared>>
    tpu.wait_dma2 semaphore(%arg14 : memref<!tpu.dma_semaphore, #tpu.memory_space<semaphore_mem>>) src(%arg11 : memref<16x128xf32, #tpu.memory_space<vmem>>) dst(%dma_wait3A_306 : memref<16x128xf32, #tpu.memory_space<vmem_shared>>)
    %add3A_307 = arith.constant 48 : i32
    %add3A_308 = arith.addi %multiple_of3A, %add3A_307 : i32
    %dma_wait3A_309 = arith.constant 0 : i32
    %dma_wait3A_310 = tpu.memref_slice %arg6[%add3A_308, %dma_wait3A_309] : memref<10240x128xf32, #tpu.memory_space<vmem_shared>> -> memref<16x128xf32, #tpu.memory_space<vmem_shared>>
    %dma_wait3A_311 = arith.constant 0 : i32
    %dma_wait3A_312 = tpu.memref_slice %arg6[%add3A_308, %dma_wait3A_311] : memref<10240x128xf32, #tpu.memory_space<vmem_shared>> -> memref<16x128xf32, #tpu.memory_space<vmem_shared>>
    tpu.wait_dma2 semaphore(%arg14 : memref<!tpu.dma_semaphore, #tpu.memory_space<semaphore_mem>>) src(%arg11 : memref<16x128xf32, #tpu.memory_space<vmem>>) dst(%dma_wait3A_312 : memref<16x128xf32, #tpu.memory_space<vmem_shared>>)
    %add3A_313 = arith.constant 64 : i32
    %add3A_314 = arith.addi %multiple_of3A, %add3A_313 : i32
    %dma_wait3A_315 = arith.constant 0 : i32
    %dma_wait3A_316 = tpu.memref_slice %arg6[%add3A_314, %dma_wait3A_315] : memref<10240x128xf32, #tpu.memory_space<vmem_shared>> -> memref<16x128xf32, #tpu.memory_space<vmem_shared>>
    %dma_wait3A_317 = arith.constant 0 : i32
    %dma_wait3A_318 = tpu.memref_slice %arg6[%add3A_314, %dma_wait3A_317] : memref<10240x128xf32, #tpu.memory_space<vmem_shared>> -> memref<16x128xf32, #tpu.memory_space<vmem_shared>>
    tpu.wait_dma2 semaphore(%arg14 : memref<!tpu.dma_semaphore, #tpu.memory_space<semaphore_mem>>) src(%arg11 : memref<16x128xf32, #tpu.memory_space<vmem>>) dst(%dma_wait3A_318 : memref<16x128xf32, #tpu.memory_space<vmem_shared>>)
    %add3A_319 = arith.constant 80 : i32
    %add3A_320 = arith.addi %multiple_of3A, %add3A_319 : i32
    %dma_wait3A_321 = arith.constant 0 : i32
    %dma_wait3A_322 = tpu.memref_slice %arg6[%add3A_320, %dma_wait3A_321] : memref<10240x128xf32, #tpu.memory_space<vmem_shared>> -> memref<16x128xf32, #tpu.memory_space<vmem_shared>>
    %dma_wait3A_323 = arith.constant 0 : i32
    %dma_wait3A_324 = tpu.memref_slice %arg6[%add3A_320, %dma_wait3A_323] : memref<10240x128xf32, #tpu.memory_space<vmem_shared>> -> memref<16x128xf32, #tpu.memory_space<vmem_shared>>
    tpu.wait_dma2 semaphore(%arg14 : memref<!tpu.dma_semaphore, #tpu.memory_space<semaphore_mem>>) src(%arg11 : memref<16x128xf32, #tpu.memory_space<vmem>>) dst(%dma_wait3A_324 : memref<16x128xf32, #tpu.memory_space<vmem_shared>>)
    %add3A_325 = arith.constant 96 : i32
    %add3A_326 = arith.addi %multiple_of3A, %add3A_325 : i32
    %dma_wait3A_327 = arith.constant 0 : i32
    %dma_wait3A_328 = tpu.memref_slice %arg6[%add3A_326, %dma_wait3A_327] : memref<10240x128xf32, #tpu.memory_space<vmem_shared>> -> memref<16x128xf32, #tpu.memory_space<vmem_shared>>
    %dma_wait3A_329 = arith.constant 0 : i32
    %dma_wait3A_330 = tpu.memref_slice %arg6[%add3A_326, %dma_wait3A_329] : memref<10240x128xf32, #tpu.memory_space<vmem_shared>> -> memref<16x128xf32, #tpu.memory_space<vmem_shared>>
    tpu.wait_dma2 semaphore(%arg14 : memref<!tpu.dma_semaphore, #tpu.memory_space<semaphore_mem>>) src(%arg11 : memref<16x128xf32, #tpu.memory_space<vmem>>) dst(%dma_wait3A_330 : memref<16x128xf32, #tpu.memory_space<vmem_shared>>)
    %add3A_331 = arith.constant 112 : i32
    %add3A_332 = arith.addi %multiple_of3A, %add3A_331 : i32
    %dma_wait3A_333 = arith.constant 0 : i32
    %dma_wait3A_334 = tpu.memref_slice %arg6[%add3A_332, %dma_wait3A_333] : memref<10240x128xf32, #tpu.memory_space<vmem_shared>> -> memref<16x128xf32, #tpu.memory_space<vmem_shared>>
    %dma_wait3A_335 = arith.constant 0 : i32
    %dma_wait3A_336 = tpu.memref_slice %arg6[%add3A_332, %dma_wait3A_335] : memref<10240x128xf32, #tpu.memory_space<vmem_shared>> -> memref<16x128xf32, #tpu.memory_space<vmem_shared>>
    tpu.wait_dma2 semaphore(%arg14 : memref<!tpu.dma_semaphore, #tpu.memory_space<semaphore_mem>>) src(%arg11 : memref<16x128xf32, #tpu.memory_space<vmem>>) dst(%dma_wait3A_336 : memref<16x128xf32, #tpu.memory_space<vmem_shared>>)
    %add3A_337 = arith.constant 128 : i32
    %add3A_338 = arith.addi %multiple_of3A, %add3A_337 : i32
    %dma_wait3A_339 = arith.constant 0 : i32
    %dma_wait3A_340 = tpu.memref_slice %arg6[%add3A_338, %dma_wait3A_339] : memref<10240x128xf32, #tpu.memory_space<vmem_shared>> -> memref<16x128xf32, #tpu.memory_space<vmem_shared>>
    %dma_wait3A_341 = arith.constant 0 : i32
    %dma_wait3A_342 = tpu.memref_slice %arg6[%add3A_338, %dma_wait3A_341] : memref<10240x128xf32, #tpu.memory_space<vmem_shared>> -> memref<16x128xf32, #tpu.memory_space<vmem_shared>>
    tpu.wait_dma2 semaphore(%arg14 : memref<!tpu.dma_semaphore, #tpu.memory_space<semaphore_mem>>) src(%arg11 : memref<16x128xf32, #tpu.memory_space<vmem>>) dst(%dma_wait3A_342 : memref<16x128xf32, #tpu.memory_space<vmem_shared>>)
    %add3A_343 = arith.constant 144 : i32
    %add3A_344 = arith.addi %multiple_of3A, %add3A_343 : i32
    %dma_wait3A_345 = arith.constant 0 : i32
    %dma_wait3A_346 = tpu.memref_slice %arg6[%add3A_344, %dma_wait3A_345] : memref<10240x128xf32, #tpu.memory_space<vmem_shared>> -> memref<16x128xf32, #tpu.memory_space<vmem_shared>>
    %dma_wait3A_347 = arith.constant 0 : i32
    %dma_wait3A_348 = tpu.memref_slice %arg6[%add3A_344, %dma_wait3A_347] : memref<10240x128xf32, #tpu.memory_space<vmem_shared>> -> memref<16x128xf32, #tpu.memory_space<vmem_shared>>
    tpu.wait_dma2 semaphore(%arg14 : memref<!tpu.dma_semaphore, #tpu.memory_space<semaphore_mem>>) src(%arg11 : memref<16x128xf32, #tpu.memory_space<vmem>>) dst(%dma_wait3A_348 : memref<16x128xf32, #tpu.memory_space<vmem_shared>>)
    %add3A_349 = arith.constant 160 : i32
    %add3A_350 = arith.addi %multiple_of3A, %add3A_349 : i32
    %dma_wait3A_351 = arith.constant 0 : i32
    %dma_wait3A_352 = tpu.memref_slice %arg6[%add3A_350, %dma_wait3A_351] : memref<10240x128xf32, #tpu.memory_space<vmem_shared>> -> memref<16x128xf32, #tpu.memory_space<vmem_shared>>
    %dma_wait3A_353 = arith.constant 0 : i32
    %dma_wait3A_354 = tpu.memref_slice %arg6[%add3A_350, %dma_wait3A_353] : memref<10240x128xf32, #tpu.memory_space<vmem_shared>> -> memref<16x128xf32, #tpu.memory_space<vmem_shared>>
    tpu.wait_dma2 semaphore(%arg14 : memref<!tpu.dma_semaphore, #tpu.memory_space<semaphore_mem>>) src(%arg11 : memref<16x128xf32, #tpu.memory_space<vmem>>) dst(%dma_wait3A_354 : memref<16x128xf32, #tpu.memory_space<vmem_shared>>)
    %add3A_355 = arith.constant 176 : i32
    %add3A_356 = arith.addi %multiple_of3A, %add3A_355 : i32
    %dma_wait3A_357 = arith.constant 0 : i32
    %dma_wait3A_358 = tpu.memref_slice %arg6[%add3A_356, %dma_wait3A_357] : memref<10240x128xf32, #tpu.memory_space<vmem_shared>> -> memref<16x128xf32, #tpu.memory_space<vmem_shared>>
    %dma_wait3A_359 = arith.constant 0 : i32
    %dma_wait3A_360 = tpu.memref_slice %arg6[%add3A_356, %dma_wait3A_359] : memref<10240x128xf32, #tpu.memory_space<vmem_shared>> -> memref<16x128xf32, #tpu.memory_space<vmem_shared>>
    tpu.wait_dma2 semaphore(%arg14 : memref<!tpu.dma_semaphore, #tpu.memory_space<semaphore_mem>>) src(%arg11 : memref<16x128xf32, #tpu.memory_space<vmem>>) dst(%dma_wait3A_360 : memref<16x128xf32, #tpu.memory_space<vmem_shared>>)
    %add3A_361 = arith.constant 192 : i32
    %add3A_362 = arith.addi %multiple_of3A, %add3A_361 : i32
    %dma_wait3A_363 = arith.constant 0 : i32
    %dma_wait3A_364 = tpu.memref_slice %arg6[%add3A_362, %dma_wait3A_363] : memref<10240x128xf32, #tpu.memory_space<vmem_shared>> -> memref<16x128xf32, #tpu.memory_space<vmem_shared>>
    %dma_wait3A_365 = arith.constant 0 : i32
    %dma_wait3A_366 = tpu.memref_slice %arg6[%add3A_362, %dma_wait3A_365] : memref<10240x128xf32, #tpu.memory_space<vmem_shared>> -> memref<16x128xf32, #tpu.memory_space<vmem_shared>>
    tpu.wait_dma2 semaphore(%arg14 : memref<!tpu.dma_semaphore, #tpu.memory_space<semaphore_mem>>) src(%arg11 : memref<16x128xf32, #tpu.memory_space<vmem>>) dst(%dma_wait3A_366 : memref<16x128xf32, #tpu.memory_space<vmem_shared>>)
    %add3A_367 = arith.constant 208 : i32
    %add3A_368 = arith.addi %multiple_of3A, %add3A_367 : i32
    %dma_wait3A_369 = arith.constant 0 : i32
    %dma_wait3A_370 = tpu.memref_slice %arg6[%add3A_368, %dma_wait3A_369] : memref<10240x128xf32, #tpu.memory_space<vmem_shared>> -> memref<16x128xf32, #tpu.memory_space<vmem_shared>>
    %dma_wait3A_371 = arith.constant 0 : i32
    %dma_wait3A_372 = tpu.memref_slice %arg6[%add3A_368, %dma_wait3A_371] : memref<10240x128xf32, #tpu.memory_space<vmem_shared>> -> memref<16x128xf32, #tpu.memory_space<vmem_shared>>
    tpu.wait_dma2 semaphore(%arg14 : memref<!tpu.dma_semaphore, #tpu.memory_space<semaphore_mem>>) src(%arg11 : memref<16x128xf32, #tpu.memory_space<vmem>>) dst(%dma_wait3A_372 : memref<16x128xf32, #tpu.memory_space<vmem_shared>>)
    %add3A_373 = arith.constant 224 : i32
    %add3A_374 = arith.addi %multiple_of3A, %add3A_373 : i32
    %dma_wait3A_375 = arith.constant 0 : i32
    %dma_wait3A_376 = tpu.memref_slice %arg6[%add3A_374, %dma_wait3A_375] : memref<10240x128xf32, #tpu.memory_space<vmem_shared>> -> memref<16x128xf32, #tpu.memory_space<vmem_shared>>
    %dma_wait3A_377 = arith.constant 0 : i32
    %dma_wait3A_378 = tpu.memref_slice %arg6[%add3A_374, %dma_wait3A_377] : memref<10240x128xf32, #tpu.memory_space<vmem_shared>> -> memref<16x128xf32, #tpu.memory_space<vmem_shared>>
    tpu.wait_dma2 semaphore(%arg14 : memref<!tpu.dma_semaphore, #tpu.memory_space<semaphore_mem>>) src(%arg11 : memref<16x128xf32, #tpu.memory_space<vmem>>) dst(%dma_wait3A_378 : memref<16x128xf32, #tpu.memory_space<vmem_shared>>)
    %add3A_379 = arith.constant 240 : i32
    %add3A_380 = arith.addi %multiple_of3A, %add3A_379 : i32
    %dma_wait3A_381 = arith.constant 0 : i32
    %dma_wait3A_382 = tpu.memref_slice %arg6[%add3A_380, %dma_wait3A_381] : memref<10240x128xf32, #tpu.memory_space<vmem_shared>> -> memref<16x128xf32, #tpu.memory_space<vmem_shared>>
    %dma_wait3A_383 = arith.constant 0 : i32
    %dma_wait3A_384 = tpu.memref_slice %arg6[%add3A_380, %dma_wait3A_383] : memref<10240x128xf32, #tpu.memory_space<vmem_shared>> -> memref<16x128xf32, #tpu.memory_space<vmem_shared>>
    tpu.wait_dma2 semaphore(%arg14 : memref<!tpu.dma_semaphore, #tpu.memory_space<semaphore_mem>>) src(%arg11 : memref<16x128xf32, #tpu.memory_space<vmem>>) dst(%dma_wait3A_384 : memref<16x128xf32, #tpu.memory_space<vmem_shared>>)
    %add3A_385 = arith.constant 256 : i32
    %add3A_386 = arith.addi %multiple_of3A, %add3A_385 : i32
    %dma_wait3A_387 = arith.constant 0 : i32
    %dma_wait3A_388 = tpu.memref_slice %arg6[%add3A_386, %dma_wait3A_387] : memref<10240x128xf32, #tpu.memory_space<vmem_shared>> -> memref<16x128xf32, #tpu.memory_space<vmem_shared>>
    %dma_wait3A_389 = arith.constant 0 : i32
    %dma_wait3A_390 = tpu.memref_slice %arg6[%add3A_386, %dma_wait3A_389] : memref<10240x128xf32, #tpu.memory_space<vmem_shared>> -> memref<16x128xf32, #tpu.memory_space<vmem_shared>>
    tpu.wait_dma2 semaphore(%arg14 : memref<!tpu.dma_semaphore, #tpu.memory_space<semaphore_mem>>) src(%arg11 : memref<16x128xf32, #tpu.memory_space<vmem>>) dst(%dma_wait3A_390 : memref<16x128xf32, #tpu.memory_space<vmem_shared>>)
    %add3A_391 = arith.constant 272 : i32
    %add3A_392 = arith.addi %multiple_of3A, %add3A_391 : i32
    %dma_wait3A_393 = arith.constant 0 : i32
    %dma_wait3A_394 = tpu.memref_slice %arg6[%add3A_392, %dma_wait3A_393] : memref<10240x128xf32, #tpu.memory_space<vmem_shared>> -> memref<16x128xf32, #tpu.memory_space<vmem_shared>>
    %dma_wait3A_395 = arith.constant 0 : i32
    %dma_wait3A_396 = tpu.memref_slice %arg6[%add3A_392, %dma_wait3A_395] : memref<10240x128xf32, #tpu.memory_space<vmem_shared>> -> memref<16x128xf32, #tpu.memory_space<vmem_shared>>
    tpu.wait_dma2 semaphore(%arg14 : memref<!tpu.dma_semaphore, #tpu.memory_space<semaphore_mem>>) src(%arg11 : memref<16x128xf32, #tpu.memory_space<vmem>>) dst(%dma_wait3A_396 : memref<16x128xf32, #tpu.memory_space<vmem_shared>>)
    %add3A_397 = arith.constant 288 : i32
    %add3A_398 = arith.addi %multiple_of3A, %add3A_397 : i32
    %dma_wait3A_399 = arith.constant 0 : i32
    %dma_wait3A_400 = tpu.memref_slice %arg6[%add3A_398, %dma_wait3A_399] : memref<10240x128xf32, #tpu.memory_space<vmem_shared>> -> memref<16x128xf32, #tpu.memory_space<vmem_shared>>
    %dma_wait3A_401 = arith.constant 0 : i32
    %dma_wait3A_402 = tpu.memref_slice %arg6[%add3A_398, %dma_wait3A_401] : memref<10240x128xf32, #tpu.memory_space<vmem_shared>> -> memref<16x128xf32, #tpu.memory_space<vmem_shared>>
    tpu.wait_dma2 semaphore(%arg14 : memref<!tpu.dma_semaphore, #tpu.memory_space<semaphore_mem>>) src(%arg11 : memref<16x128xf32, #tpu.memory_space<vmem>>) dst(%dma_wait3A_402 : memref<16x128xf32, #tpu.memory_space<vmem_shared>>)
    %add3A_403 = arith.constant 304 : i32
    %add3A_404 = arith.addi %multiple_of3A, %add3A_403 : i32
    %dma_wait3A_405 = arith.constant 0 : i32
    %dma_wait3A_406 = tpu.memref_slice %arg6[%add3A_404, %dma_wait3A_405] : memref<10240x128xf32, #tpu.memory_space<vmem_shared>> -> memref<16x128xf32, #tpu.memory_space<vmem_shared>>
    %dma_wait3A_407 = arith.constant 0 : i32
    %dma_wait3A_408 = tpu.memref_slice %arg6[%add3A_404, %dma_wait3A_407] : memref<10240x128xf32, #tpu.memory_space<vmem_shared>> -> memref<16x128xf32, #tpu.memory_space<vmem_shared>>
    tpu.wait_dma2 semaphore(%arg14 : memref<!tpu.dma_semaphore, #tpu.memory_space<semaphore_mem>>) src(%arg11 : memref<16x128xf32, #tpu.memory_space<vmem>>) dst(%dma_wait3A_408 : memref<16x128xf32, #tpu.memory_space<vmem_shared>>)
    %add3A_409 = arith.constant 320 : i32
    %add3A_410 = arith.addi %multiple_of3A, %add3A_409 : i32
    %dma_wait3A_411 = arith.constant 0 : i32
    %dma_wait3A_412 = tpu.memref_slice %arg6[%add3A_410, %dma_wait3A_411] : memref<10240x128xf32, #tpu.memory_space<vmem_shared>> -> memref<16x128xf32, #tpu.memory_space<vmem_shared>>
    %dma_wait3A_413 = arith.constant 0 : i32
    %dma_wait3A_414 = tpu.memref_slice %arg6[%add3A_410, %dma_wait3A_413] : memref<10240x128xf32, #tpu.memory_space<vmem_shared>> -> memref<16x128xf32, #tpu.memory_space<vmem_shared>>
    tpu.wait_dma2 semaphore(%arg14 : memref<!tpu.dma_semaphore, #tpu.memory_space<semaphore_mem>>) src(%arg11 : memref<16x128xf32, #tpu.memory_space<vmem>>) dst(%dma_wait3A_414 : memref<16x128xf32, #tpu.memory_space<vmem_shared>>)
    %add3A_415 = arith.constant 336 : i32
    %add3A_416 = arith.addi %multiple_of3A, %add3A_415 : i32
    %dma_wait3A_417 = arith.constant 0 : i32
    %dma_wait3A_418 = tpu.memref_slice %arg6[%add3A_416, %dma_wait3A_417] : memref<10240x128xf32, #tpu.memory_space<vmem_shared>> -> memref<16x128xf32, #tpu.memory_space<vmem_shared>>
    %dma_wait3A_419 = arith.constant 0 : i32
    %dma_wait3A_420 = tpu.memref_slice %arg6[%add3A_416, %dma_wait3A_419] : memref<10240x128xf32, #tpu.memory_space<vmem_shared>> -> memref<16x128xf32, #tpu.memory_space<vmem_shared>>
    tpu.wait_dma2 semaphore(%arg14 : memref<!tpu.dma_semaphore, #tpu.memory_space<semaphore_mem>>) src(%arg11 : memref<16x128xf32, #tpu.memory_space<vmem>>) dst(%dma_wait3A_420 : memref<16x128xf32, #tpu.memory_space<vmem_shared>>)
    %add3A_421 = arith.constant 352 : i32
    %add3A_422 = arith.addi %multiple_of3A, %add3A_421 : i32
    %dma_wait3A_423 = arith.constant 0 : i32
    %dma_wait3A_424 = tpu.memref_slice %arg6[%add3A_422, %dma_wait3A_423] : memref<10240x128xf32, #tpu.memory_space<vmem_shared>> -> memref<16x128xf32, #tpu.memory_space<vmem_shared>>
    %dma_wait3A_425 = arith.constant 0 : i32
    %dma_wait3A_426 = tpu.memref_slice %arg6[%add3A_422, %dma_wait3A_425] : memref<10240x128xf32, #tpu.memory_space<vmem_shared>> -> memref<16x128xf32, #tpu.memory_space<vmem_shared>>
    tpu.wait_dma2 semaphore(%arg14 : memref<!tpu.dma_semaphore, #tpu.memory_space<semaphore_mem>>) src(%arg11 : memref<16x128xf32, #tpu.memory_space<vmem>>) dst(%dma_wait3A_426 : memref<16x128xf32, #tpu.memory_space<vmem_shared>>)
    %add3A_427 = arith.constant 368 : i32
    %add3A_428 = arith.addi %multiple_of3A, %add3A_427 : i32
    %dma_wait3A_429 = arith.constant 0 : i32
    %dma_wait3A_430 = tpu.memref_slice %arg6[%add3A_428, %dma_wait3A_429] : memref<10240x128xf32, #tpu.memory_space<vmem_shared>> -> memref<16x128xf32, #tpu.memory_space<vmem_shared>>
    %dma_wait3A_431 = arith.constant 0 : i32
    %dma_wait3A_432 = tpu.memref_slice %arg6[%add3A_428, %dma_wait3A_431] : memref<10240x128xf32, #tpu.memory_space<vmem_shared>> -> memref<16x128xf32, #tpu.memory_space<vmem_shared>>
    tpu.wait_dma2 semaphore(%arg14 : memref<!tpu.dma_semaphore, #tpu.memory_space<semaphore_mem>>) src(%arg11 : memref<16x128xf32, #tpu.memory_space<vmem>>) dst(%dma_wait3A_432 : memref<16x128xf32, #tpu.memory_space<vmem_shared>>)
    %add3A_433 = arith.constant 384 : i32
    %add3A_434 = arith.addi %multiple_of3A, %add3A_433 : i32
    %dma_wait3A_435 = arith.constant 0 : i32
    %dma_wait3A_436 = tpu.memref_slice %arg6[%add3A_434, %dma_wait3A_435] : memref<10240x128xf32, #tpu.memory_space<vmem_shared>> -> memref<16x128xf32, #tpu.memory_space<vmem_shared>>
    %dma_wait3A_437 = arith.constant 0 : i32
    %dma_wait3A_438 = tpu.memref_slice %arg6[%add3A_434, %dma_wait3A_437] : memref<10240x128xf32, #tpu.memory_space<vmem_shared>> -> memref<16x128xf32, #tpu.memory_space<vmem_shared>>
    tpu.wait_dma2 semaphore(%arg14 : memref<!tpu.dma_semaphore, #tpu.memory_space<semaphore_mem>>) src(%arg11 : memref<16x128xf32, #tpu.memory_space<vmem>>) dst(%dma_wait3A_438 : memref<16x128xf32, #tpu.memory_space<vmem_shared>>)
    %add3A_439 = arith.constant 400 : i32
    %add3A_440 = arith.addi %multiple_of3A, %add3A_439 : i32
    %dma_wait3A_441 = arith.constant 0 : i32
    %dma_wait3A_442 = tpu.memref_slice %arg6[%add3A_440, %dma_wait3A_441] : memref<10240x128xf32, #tpu.memory_space<vmem_shared>> -> memref<16x128xf32, #tpu.memory_space<vmem_shared>>
    %dma_wait3A_443 = arith.constant 0 : i32
    %dma_wait3A_444 = tpu.memref_slice %arg6[%add3A_440, %dma_wait3A_443] : memref<10240x128xf32, #tpu.memory_space<vmem_shared>> -> memref<16x128xf32, #tpu.memory_space<vmem_shared>>
    tpu.wait_dma2 semaphore(%arg14 : memref<!tpu.dma_semaphore, #tpu.memory_space<semaphore_mem>>) src(%arg11 : memref<16x128xf32, #tpu.memory_space<vmem>>) dst(%dma_wait3A_444 : memref<16x128xf32, #tpu.memory_space<vmem_shared>>)
    %add3A_445 = arith.constant 416 : i32
    %add3A_446 = arith.addi %multiple_of3A, %add3A_445 : i32
    %dma_wait3A_447 = arith.constant 0 : i32
    %dma_wait3A_448 = tpu.memref_slice %arg6[%add3A_446, %dma_wait3A_447] : memref<10240x128xf32, #tpu.memory_space<vmem_shared>> -> memref<16x128xf32, #tpu.memory_space<vmem_shared>>
    %dma_wait3A_449 = arith.constant 0 : i32
    %dma_wait3A_450 = tpu.memref_slice %arg6[%add3A_446, %dma_wait3A_449] : memref<10240x128xf32, #tpu.memory_space<vmem_shared>> -> memref<16x128xf32, #tpu.memory_space<vmem_shared>>
    tpu.wait_dma2 semaphore(%arg14 : memref<!tpu.dma_semaphore, #tpu.memory_space<semaphore_mem>>) src(%arg11 : memref<16x128xf32, #tpu.memory_space<vmem>>) dst(%dma_wait3A_450 : memref<16x128xf32, #tpu.memory_space<vmem_shared>>)
    %add3A_451 = arith.constant 432 : i32
    %add3A_452 = arith.addi %multiple_of3A, %add3A_451 : i32
    %dma_wait3A_453 = arith.constant 0 : i32
    %dma_wait3A_454 = tpu.memref_slice %arg6[%add3A_452, %dma_wait3A_453] : memref<10240x128xf32, #tpu.memory_space<vmem_shared>> -> memref<16x128xf32, #tpu.memory_space<vmem_shared>>
    %dma_wait3A_455 = arith.constant 0 : i32
    %dma_wait3A_456 = tpu.memref_slice %arg6[%add3A_452, %dma_wait3A_455] : memref<10240x128xf32, #tpu.memory_space<vmem_shared>> -> memref<16x128xf32, #tpu.memory_space<vmem_shared>>
    tpu.wait_dma2 semaphore(%arg14 : memref<!tpu.dma_semaphore, #tpu.memory_space<semaphore_mem>>) src(%arg11 : memref<16x128xf32, #tpu.memory_space<vmem>>) dst(%dma_wait3A_456 : memref<16x128xf32, #tpu.memory_space<vmem_shared>>)
    %add3A_457 = arith.constant 448 : i32
    %add3A_458 = arith.addi %multiple_of3A, %add3A_457 : i32
    %dma_wait3A_459 = arith.constant 0 : i32
    %dma_wait3A_460 = tpu.memref_slice %arg6[%add3A_458, %dma_wait3A_459] : memref<10240x128xf32, #tpu.memory_space<vmem_shared>> -> memref<16x128xf32, #tpu.memory_space<vmem_shared>>
    %dma_wait3A_461 = arith.constant 0 : i32
    %dma_wait3A_462 = tpu.memref_slice %arg6[%add3A_458, %dma_wait3A_461] : memref<10240x128xf32, #tpu.memory_space<vmem_shared>> -> memref<16x128xf32, #tpu.memory_space<vmem_shared>>
    tpu.wait_dma2 semaphore(%arg14 : memref<!tpu.dma_semaphore, #tpu.memory_space<semaphore_mem>>) src(%arg11 : memref<16x128xf32, #tpu.memory_space<vmem>>) dst(%dma_wait3A_462 : memref<16x128xf32, #tpu.memory_space<vmem_shared>>)
    %add3A_463 = arith.constant 464 : i32
    %add3A_464 = arith.addi %multiple_of3A, %add3A_463 : i32
    %dma_wait3A_465 = arith.constant 0 : i32
    %dma_wait3A_466 = tpu.memref_slice %arg6[%add3A_464, %dma_wait3A_465] : memref<10240x128xf32, #tpu.memory_space<vmem_shared>> -> memref<16x128xf32, #tpu.memory_space<vmem_shared>>
    %dma_wait3A_467 = arith.constant 0 : i32
    %dma_wait3A_468 = tpu.memref_slice %arg6[%add3A_464, %dma_wait3A_467] : memref<10240x128xf32, #tpu.memory_space<vmem_shared>> -> memref<16x128xf32, #tpu.memory_space<vmem_shared>>
    tpu.wait_dma2 semaphore(%arg14 : memref<!tpu.dma_semaphore, #tpu.memory_space<semaphore_mem>>) src(%arg11 : memref<16x128xf32, #tpu.memory_space<vmem>>) dst(%dma_wait3A_468 : memref<16x128xf32, #tpu.memory_space<vmem_shared>>)
    %add3A_469 = arith.constant 480 : i32
    %add3A_470 = arith.addi %multiple_of3A, %add3A_469 : i32
    %dma_wait3A_471 = arith.constant 0 : i32
    %dma_wait3A_472 = tpu.memref_slice %arg6[%add3A_470, %dma_wait3A_471] : memref<10240x128xf32, #tpu.memory_space<vmem_shared>> -> memref<16x128xf32, #tpu.memory_space<vmem_shared>>
    %dma_wait3A_473 = arith.constant 0 : i32
    %dma_wait3A_474 = tpu.memref_slice %arg6[%add3A_470, %dma_wait3A_473] : memref<10240x128xf32, #tpu.memory_space<vmem_shared>> -> memref<16x128xf32, #tpu.memory_space<vmem_shared>>
    tpu.wait_dma2 semaphore(%arg14 : memref<!tpu.dma_semaphore, #tpu.memory_space<semaphore_mem>>) src(%arg11 : memref<16x128xf32, #tpu.memory_space<vmem>>) dst(%dma_wait3A_474 : memref<16x128xf32, #tpu.memory_space<vmem_shared>>)
    %add3A_475 = arith.constant 496 : i32
    %add3A_476 = arith.addi %multiple_of3A, %add3A_475 : i32
    %dma_wait3A_477 = arith.constant 0 : i32
    %dma_wait3A_478 = tpu.memref_slice %arg6[%add3A_476, %dma_wait3A_477] : memref<10240x128xf32, #tpu.memory_space<vmem_shared>> -> memref<16x128xf32, #tpu.memory_space<vmem_shared>>
    %dma_wait3A_479 = arith.constant 0 : i32
    %dma_wait3A_480 = tpu.memref_slice %arg6[%add3A_476, %dma_wait3A_479] : memref<10240x128xf32, #tpu.memory_space<vmem_shared>> -> memref<16x128xf32, #tpu.memory_space<vmem_shared>>
    tpu.wait_dma2 semaphore(%arg14 : memref<!tpu.dma_semaphore, #tpu.memory_space<semaphore_mem>>) src(%arg11 : memref<16x128xf32, #tpu.memory_space<vmem>>) dst(%dma_wait3A_480 : memref<16x128xf32, #tpu.memory_space<vmem_shared>>)
    %add3A_481 = arith.constant 512 : i32
    %add3A_482 = arith.addi %multiple_of3A, %add3A_481 : i32
    %dma_wait3A_483 = arith.constant 0 : i32
    %dma_wait3A_484 = tpu.memref_slice %arg6[%add3A_482, %dma_wait3A_483] : memref<10240x128xf32, #tpu.memory_space<vmem_shared>> -> memref<16x128xf32, #tpu.memory_space<vmem_shared>>
    %dma_wait3A_485 = arith.constant 0 : i32
    %dma_wait3A_486 = tpu.memref_slice %arg6[%add3A_482, %dma_wait3A_485] : memref<10240x128xf32, #tpu.memory_space<vmem_shared>> -> memref<16x128xf32, #tpu.memory_space<vmem_shared>>
    tpu.wait_dma2 semaphore(%arg14 : memref<!tpu.dma_semaphore, #tpu.memory_space<semaphore_mem>>) src(%arg11 : memref<16x128xf32, #tpu.memory_space<vmem>>) dst(%dma_wait3A_486 : memref<16x128xf32, #tpu.memory_space<vmem_shared>>)
    %add3A_487 = arith.constant 528 : i32
    %add3A_488 = arith.addi %multiple_of3A, %add3A_487 : i32
    %dma_wait3A_489 = arith.constant 0 : i32
    %dma_wait3A_490 = tpu.memref_slice %arg6[%add3A_488, %dma_wait3A_489] : memref<10240x128xf32, #tpu.memory_space<vmem_shared>> -> memref<16x128xf32, #tpu.memory_space<vmem_shared>>
    %dma_wait3A_491 = arith.constant 0 : i32
    %dma_wait3A_492 = tpu.memref_slice %arg6[%add3A_488, %dma_wait3A_491] : memref<10240x128xf32, #tpu.memory_space<vmem_shared>> -> memref<16x128xf32, #tpu.memory_space<vmem_shared>>
    tpu.wait_dma2 semaphore(%arg14 : memref<!tpu.dma_semaphore, #tpu.memory_space<semaphore_mem>>) src(%arg11 : memref<16x128xf32, #tpu.memory_space<vmem>>) dst(%dma_wait3A_492 : memref<16x128xf32, #tpu.memory_space<vmem_shared>>)
    %add3A_493 = arith.constant 544 : i32
    %add3A_494 = arith.addi %multiple_of3A, %add3A_493 : i32
    %dma_wait3A_495 = arith.constant 0 : i32
    %dma_wait3A_496 = tpu.memref_slice %arg6[%add3A_494, %dma_wait3A_495] : memref<10240x128xf32, #tpu.memory_space<vmem_shared>> -> memref<16x128xf32, #tpu.memory_space<vmem_shared>>
    %dma_wait3A_497 = arith.constant 0 : i32
    %dma_wait3A_498 = tpu.memref_slice %arg6[%add3A_494, %dma_wait3A_497] : memref<10240x128xf32, #tpu.memory_space<vmem_shared>> -> memref<16x128xf32, #tpu.memory_space<vmem_shared>>
    tpu.wait_dma2 semaphore(%arg14 : memref<!tpu.dma_semaphore, #tpu.memory_space<semaphore_mem>>) src(%arg11 : memref<16x128xf32, #tpu.memory_space<vmem>>) dst(%dma_wait3A_498 : memref<16x128xf32, #tpu.memory_space<vmem_shared>>)
    %add3A_499 = arith.constant 560 : i32
    %add3A_500 = arith.addi %multiple_of3A, %add3A_499 : i32
    %dma_wait3A_501 = arith.constant 0 : i32
    %dma_wait3A_502 = tpu.memref_slice %arg6[%add3A_500, %dma_wait3A_501] : memref<10240x128xf32, #tpu.memory_space<vmem_shared>> -> memref<16x128xf32, #tpu.memory_space<vmem_shared>>
    %dma_wait3A_503 = arith.constant 0 : i32
    %dma_wait3A_504 = tpu.memref_slice %arg6[%add3A_500, %dma_wait3A_503] : memref<10240x128xf32, #tpu.memory_space<vmem_shared>> -> memref<16x128xf32, #tpu.memory_space<vmem_shared>>
    tpu.wait_dma2 semaphore(%arg14 : memref<!tpu.dma_semaphore, #tpu.memory_space<semaphore_mem>>) src(%arg11 : memref<16x128xf32, #tpu.memory_space<vmem>>) dst(%dma_wait3A_504 : memref<16x128xf32, #tpu.memory_space<vmem_shared>>)
    %add3A_505 = arith.constant 576 : i32
    %add3A_506 = arith.addi %multiple_of3A, %add3A_505 : i32
    %dma_wait3A_507 = arith.constant 0 : i32
    %dma_wait3A_508 = tpu.memref_slice %arg6[%add3A_506, %dma_wait3A_507] : memref<10240x128xf32, #tpu.memory_space<vmem_shared>> -> memref<16x128xf32, #tpu.memory_space<vmem_shared>>
    %dma_wait3A_509 = arith.constant 0 : i32
    %dma_wait3A_510 = tpu.memref_slice %arg6[%add3A_506, %dma_wait3A_509] : memref<10240x128xf32, #tpu.memory_space<vmem_shared>> -> memref<16x128xf32, #tpu.memory_space<vmem_shared>>
    tpu.wait_dma2 semaphore(%arg14 : memref<!tpu.dma_semaphore, #tpu.memory_space<semaphore_mem>>) src(%arg11 : memref<16x128xf32, #tpu.memory_space<vmem>>) dst(%dma_wait3A_510 : memref<16x128xf32, #tpu.memory_space<vmem_shared>>)
    %add3A_511 = arith.constant 592 : i32
    %add3A_512 = arith.addi %multiple_of3A, %add3A_511 : i32
    %dma_wait3A_513 = arith.constant 0 : i32
    %dma_wait3A_514 = tpu.memref_slice %arg6[%add3A_512, %dma_wait3A_513] : memref<10240x128xf32, #tpu.memory_space<vmem_shared>> -> memref<16x128xf32, #tpu.memory_space<vmem_shared>>
    %dma_wait3A_515 = arith.constant 0 : i32
    %dma_wait3A_516 = tpu.memref_slice %arg6[%add3A_512, %dma_wait3A_515] : memref<10240x128xf32, #tpu.memory_space<vmem_shared>> -> memref<16x128xf32, #tpu.memory_space<vmem_shared>>
    tpu.wait_dma2 semaphore(%arg14 : memref<!tpu.dma_semaphore, #tpu.memory_space<semaphore_mem>>) src(%arg11 : memref<16x128xf32, #tpu.memory_space<vmem>>) dst(%dma_wait3A_516 : memref<16x128xf32, #tpu.memory_space<vmem_shared>>)
    %add3A_517 = arith.constant 608 : i32
    %add3A_518 = arith.addi %multiple_of3A, %add3A_517 : i32
    %dma_wait3A_519 = arith.constant 0 : i32
    %dma_wait3A_520 = tpu.memref_slice %arg6[%add3A_518, %dma_wait3A_519] : memref<10240x128xf32, #tpu.memory_space<vmem_shared>> -> memref<16x128xf32, #tpu.memory_space<vmem_shared>>
    %dma_wait3A_521 = arith.constant 0 : i32
    %dma_wait3A_522 = tpu.memref_slice %arg6[%add3A_518, %dma_wait3A_521] : memref<10240x128xf32, #tpu.memory_space<vmem_shared>> -> memref<16x128xf32, #tpu.memory_space<vmem_shared>>
    tpu.wait_dma2 semaphore(%arg14 : memref<!tpu.dma_semaphore, #tpu.memory_space<semaphore_mem>>) src(%arg11 : memref<16x128xf32, #tpu.memory_space<vmem>>) dst(%dma_wait3A_522 : memref<16x128xf32, #tpu.memory_space<vmem_shared>>)
    %add3A_523 = arith.constant 624 : i32
    %add3A_524 = arith.addi %multiple_of3A, %add3A_523 : i32
    %dma_wait3A_525 = arith.constant 0 : i32
    %dma_wait3A_526 = tpu.memref_slice %arg6[%add3A_524, %dma_wait3A_525] : memref<10240x128xf32, #tpu.memory_space<vmem_shared>> -> memref<16x128xf32, #tpu.memory_space<vmem_shared>>
    %dma_wait3A_527 = arith.constant 0 : i32
    %dma_wait3A_528 = tpu.memref_slice %arg6[%add3A_524, %dma_wait3A_527] : memref<10240x128xf32, #tpu.memory_space<vmem_shared>> -> memref<16x128xf32, #tpu.memory_space<vmem_shared>>
    tpu.wait_dma2 semaphore(%arg14 : memref<!tpu.dma_semaphore, #tpu.memory_space<semaphore_mem>>) src(%arg11 : memref<16x128xf32, #tpu.memory_space<vmem>>) dst(%dma_wait3A_528 : memref<16x128xf32, #tpu.memory_space<vmem_shared>>)
    %barrier3A = arith.constant 0 : index
    tpu.barrier barrier_id(%barrier3A)
    %scan3A_529 = arith.constant 0 : i32
    %scan3A_530 = arith.constant 0 : i32
    %scan3A_531 = arith.constant 62 : i32
    %scan3A_532 = arith.addi %scan3A_530, %scan3A_531 : i32
    %scan3A_533 = arith.constant 1 : i32
    scf.for %scan3A_541 = %scan3A_530 to %scan3A_532 step %scan3A_533  : i32 {
      %mul3A_542 = arith.constant 2 : i32
      %mul3A_543 = arith.muli %scan3A_541, %mul3A_542 : i32
      %add3A_544 = arith.constant 0 : i32
      %add3A_545 = arith.addi %mul3A_543, %add3A_544 : i32
      %mul3A_546 = arith.constant 80 : i32
      %mul3A_547 = arith.muli %add3A_545, %mul3A_546 : i32
      %dma_wait3A_548 = tpu.memref_slice %arg7[%mul3A_547] : memref<10000xi32, #tpu.memory_space<vmem>> -> memref<80xi32, #tpu.memory_space<vmem>>
      %dma_wait3A_549 = arith.constant 0 : i32
      %dma_wait3A_550 = arith.constant 0 : i32
      %dma_wait3A_551 = tpu.memref_slice %arg2[%dma_wait3A_549, %dma_wait3A_550] : memref<10000x128xf32, #tpu.memory_space<hbm>> -> memref<10000x128xf32, #tpu.memory_space<hbm>>
      tpu.wait_indirect_dma semaphore(%arg12 : memref<!tpu.dma_semaphore, #tpu.memory_space<semaphore_mem>>) src(%dma_wait3A_551 : memref<10000x128xf32, #tpu.memory_space<hbm>>) dst(%arg9 : memref<80x128xf32, #tpu.memory_space<vmem>>)
      "tpu.region"() ({
        %run_scoped3A_571 = tpu.sem_alloc : memref<!tpu.dma_semaphore, #tpu.memory_space<semaphore_mem>>
        %dma_start3A_572 = arith.constant 0 : i32
        %dma_start3A_573 = tpu.memref_slice %arg8[%add3A_545, %dma_start3A_572] : memref<125x80xi32, #tpu.memory_space<vmem>> -> memref<1x80xi32, #tpu.memory_space<vmem>>
        %dma_start3A_574 = tpu.memref_squeeze %dma_start3A_573 : memref<1x80xi32, #tpu.memory_space<vmem>> -> memref<80xi32, #tpu.memory_space<vmem>>
        %dma_start3A_575 = arith.constant 0 : i32
        %dma_start3A_576 = arith.constant 0 : i32
        %dma_start3A_577 = tpu.memref_slice %arg6[%dma_start3A_575, %dma_start3A_576] : memref<10240x128xf32, #tpu.memory_space<vmem_shared>> -> memref<10240x128xf32, #tpu.memory_space<vmem_shared>>
        tpu.enqueue_indirect_dma source(%arg9 : memref<80x128xf32, #tpu.memory_space<vmem>>) target(%dma_start3A_577 : memref<10240x128xf32, #tpu.memory_space<vmem_shared>>) offsets(%dma_start3A_574 : memref<80xi32, #tpu.memory_space<vmem>>) semaphore(%run_scoped3A_571 : memref<!tpu.dma_semaphore, #tpu.memory_space<semaphore_mem>>) {add = true}
        %dma_wait3A_578 = arith.constant 0 : i32
        %dma_wait3A_579 = tpu.memref_slice %arg8[%add3A_545, %dma_wait3A_578] : memref<125x80xi32, #tpu.memory_space<vmem>> -> memref<1x80xi32, #tpu.memory_space<vmem>>
        %dma_wait3A_580 = tpu.memref_squeeze %dma_wait3A_579 : memref<1x80xi32, #tpu.memory_space<vmem>> -> memref<80xi32, #tpu.memory_space<vmem>>
        %dma_wait3A_581 = arith.constant 0 : i32
        %dma_wait3A_582 = arith.constant 0 : i32
        %dma_wait3A_583 = tpu.memref_slice %arg6[%dma_wait3A_581, %dma_wait3A_582] : memref<10240x128xf32, #tpu.memory_space<vmem_shared>> -> memref<10240x128xf32, #tpu.memory_space<vmem_shared>>
        tpu.wait_indirect_dma semaphore(%run_scoped3A_571 : memref<!tpu.dma_semaphore, #tpu.memory_space<semaphore_mem>>) src(%arg9 : memref<80x128xf32, #tpu.memory_space<vmem>>) dst(%dma_wait3A_583 : memref<10240x128xf32, #tpu.memory_space<vmem_shared>>)
        tpu.yield
      }) : () -> ()
      %add3A_552 = arith.constant 2 : i32
      %add3A_553 = arith.addi %add3A_545, %add3A_552 : i32
      %lt3A = arith.constant 125 : i32
      %lt3A_554 = arith.cmpi slt, %add3A_553, %lt3A : i32
      %convert_element_type3A = arith.extui %lt3A_554 : i1 to i32
      %cond3A = arith.constant 0 : i32
      %cond3A_555 = arith.cmpi ne, %convert_element_type3A, %cond3A : i32
      scf.if %cond3A_555 {
        %add3A_571 = arith.constant 2 : i32
        %add3A_572 = arith.addi %add3A_545, %add3A_571 : i32
        %mul3A_573 = arith.constant 80 : i32
        %mul3A_574 = arith.muli %add3A_572, %mul3A_573 : i32
        %dma_start3A_575 = tpu.memref_slice %arg7[%mul3A_574] : memref<10000xi32, #tpu.memory_space<vmem>> -> memref<80xi32, #tpu.memory_space<vmem>>
        %dma_start3A_576 = arith.constant 0 : i32
        %dma_start3A_577 = arith.constant 0 : i32
        %dma_start3A_578 = tpu.memref_slice %arg2[%dma_start3A_576, %dma_start3A_577] : memref<10000x128xf32, #tpu.memory_space<hbm>> -> memref<10000x128xf32, #tpu.memory_space<hbm>>
        tpu.enqueue_indirect_dma source(%dma_start3A_578 : memref<10000x128xf32, #tpu.memory_space<hbm>>) target(%arg9 : memref<80x128xf32, #tpu.memory_space<vmem>>) offsets(%dma_start3A_575 : memref<80xi32, #tpu.memory_space<vmem>>) semaphore(%arg12 : memref<!tpu.dma_semaphore, #tpu.memory_space<semaphore_mem>>)
      } else {
      }
      %add3A_556 = arith.constant 1 : i32
      %add3A_557 = arith.addi %mul3A_543, %add3A_556 : i32
      %mul3A_558 = arith.constant 80 : i32
      %mul3A_559 = arith.muli %add3A_557, %mul3A_558 : i32
      %dma_wait3A_560 = tpu.memref_slice %arg7[%mul3A_559] : memref<10000xi32, #tpu.memory_space<vmem>> -> memref<80xi32, #tpu.memory_space<vmem>>
      %dma_wait3A_561 = arith.constant 0 : i32
      %dma_wait3A_562 = arith.constant 0 : i32
      %dma_wait3A_563 = tpu.memref_slice %arg2[%dma_wait3A_561, %dma_wait3A_562] : memref<10000x128xf32, #tpu.memory_space<hbm>> -> memref<10000x128xf32, #tpu.memory_space<hbm>>
      tpu.wait_indirect_dma semaphore(%arg13 : memref<!tpu.dma_semaphore, #tpu.memory_space<semaphore_mem>>) src(%dma_wait3A_563 : memref<10000x128xf32, #tpu.memory_space<hbm>>) dst(%arg10 : memref<80x128xf32, #tpu.memory_space<vmem>>)
      "tpu.region"() ({
        %run_scoped3A_571 = tpu.sem_alloc : memref<!tpu.dma_semaphore, #tpu.memory_space<semaphore_mem>>
        %dma_start3A_572 = arith.constant 0 : i32
        %dma_start3A_573 = tpu.memref_slice %arg8[%add3A_557, %dma_start3A_572] : memref<125x80xi32, #tpu.memory_space<vmem>> -> memref<1x80xi32, #tpu.memory_space<vmem>>
        %dma_start3A_574 = tpu.memref_squeeze %dma_start3A_573 : memref<1x80xi32, #tpu.memory_space<vmem>> -> memref<80xi32, #tpu.memory_space<vmem>>
        %dma_start3A_575 = arith.constant 0 : i32
        %dma_start3A_576 = arith.constant 0 : i32
        %dma_start3A_577 = tpu.memref_slice %arg6[%dma_start3A_575, %dma_start3A_576] : memref<10240x128xf32, #tpu.memory_space<vmem_shared>> -> memref<10240x128xf32, #tpu.memory_space<vmem_shared>>
        tpu.enqueue_indirect_dma source(%arg10 : memref<80x128xf32, #tpu.memory_space<vmem>>) target(%dma_start3A_577 : memref<10240x128xf32, #tpu.memory_space<vmem_shared>>) offsets(%dma_start3A_574 : memref<80xi32, #tpu.memory_space<vmem>>) semaphore(%run_scoped3A_571 : memref<!tpu.dma_semaphore, #tpu.memory_space<semaphore_mem>>) {add = true}
        %dma_wait3A_578 = arith.constant 0 : i32
        %dma_wait3A_579 = tpu.memref_slice %arg8[%add3A_557, %dma_wait3A_578] : memref<125x80xi32, #tpu.memory_space<vmem>> -> memref<1x80xi32, #tpu.memory_space<vmem>>
        %dma_wait3A_580 = tpu.memref_squeeze %dma_wait3A_579 : memref<1x80xi32, #tpu.memory_space<vmem>> -> memref<80xi32, #tpu.memory_space<vmem>>
        %dma_wait3A_581 = arith.constant 0 : i32
        %dma_wait3A_582 = arith.constant 0 : i32
        %dma_wait3A_583 = tpu.memref_slice %arg6[%dma_wait3A_581, %dma_wait3A_582] : memref<10240x128xf32, #tpu.memory_space<vmem_shared>> -> memref<10240x128xf32, #tpu.memory_space<vmem_shared>>
        tpu.wait_indirect_dma semaphore(%run_scoped3A_571 : memref<!tpu.dma_semaphore, #tpu.memory_space<semaphore_mem>>) src(%arg10 : memref<80x128xf32, #tpu.memory_space<vmem>>) dst(%dma_wait3A_583 : memref<10240x128xf32, #tpu.memory_space<vmem_shared>>)
        tpu.yield
      }) : () -> ()
      %add3A_564 = arith.constant 2 : i32
      %add3A_565 = arith.addi %add3A_557, %add3A_564 : i32
      %lt3A_566 = arith.constant 125 : i32
      %lt3A_567 = arith.cmpi slt, %add3A_565, %lt3A_566 : i32
      %convert_element_type3A_568 = arith.extui %lt3A_567 : i1 to i32
      %cond3A_569 = arith.constant 0 : i32
      %cond3A_570 = arith.cmpi ne, %convert_element_type3A_568, %cond3A_569 : i32
      scf.if %cond3A_570 {
        %add3A_571 = arith.constant 2 : i32
        %add3A_572 = arith.addi %add3A_557, %add3A_571 : i32
        %mul3A_573 = arith.constant 80 : i32
        %mul3A_574 = arith.muli %add3A_572, %mul3A_573 : i32
        %dma_start3A_575 = tpu.memref_slice %arg7[%mul3A_574] : memref<10000xi32, #tpu.memory_space<vmem>> -> memref<80xi32, #tpu.memory_space<vmem>>
        %dma_start3A_576 = arith.constant 0 : i32
        %dma_start3A_577 = arith.constant 0 : i32
        %dma_start3A_578 = tpu.memref_slice %arg2[%dma_start3A_576, %dma_start3A_577] : memref<10000x128xf32, #tpu.memory_space<hbm>> -> memref<10000x128xf32, #tpu.memory_space<hbm>>
        tpu.enqueue_indirect_dma source(%dma_start3A_578 : memref<10000x128xf32, #tpu.memory_space<hbm>>) target(%arg10 : memref<80x128xf32, #tpu.memory_space<vmem>>) offsets(%dma_start3A_575 : memref<80xi32, #tpu.memory_space<vmem>>) semaphore(%arg13 : memref<!tpu.dma_semaphore, #tpu.memory_space<semaphore_mem>>)
      } else {
      }
    }
    %scan3A_534 = arith.constant 62 : i32
    %dma_wait3A_535 = arith.constant 9920 : i32
    %dma_wait3A_536 = tpu.memref_slice %arg7[%dma_wait3A_535] : memref<10000xi32, #tpu.memory_space<vmem>> -> memref<80xi32, #tpu.memory_space<vmem>>
    %dma_wait3A_537 = arith.constant 0 : i32
    %dma_wait3A_538 = arith.constant 0 : i32
    %dma_wait3A_539 = tpu.memref_slice %arg2[%dma_wait3A_537, %dma_wait3A_538] : memref<10000x128xf32, #tpu.memory_space<hbm>> -> memref<10000x128xf32, #tpu.memory_space<hbm>>
    tpu.wait_indirect_dma semaphore(%arg12 : memref<!tpu.dma_semaphore, #tpu.memory_space<semaphore_mem>>) src(%dma_wait3A_539 : memref<10000x128xf32, #tpu.memory_space<hbm>>) dst(%arg9 : memref<80x128xf32, #tpu.memory_space<vmem>>)
    %run_scoped3A = arith.constant 124 : i32
    "tpu.region"() ({
      %run_scoped3A_541 = tpu.sem_alloc : memref<!tpu.dma_semaphore, #tpu.memory_space<semaphore_mem>>
      %dma_start3A_542 = arith.constant 0 : i32
      %dma_start3A_543 = tpu.memref_slice %arg8[%run_scoped3A, %dma_start3A_542] : memref<125x80xi32, #tpu.memory_space<vmem>> -> memref<1x80xi32, #tpu.memory_space<vmem>>
      %dma_start3A_544 = tpu.memref_squeeze %dma_start3A_543 : memref<1x80xi32, #tpu.memory_space<vmem>> -> memref<80xi32, #tpu.memory_space<vmem>>
      %dma_start3A_545 = arith.constant 0 : i32
      %dma_start3A_546 = arith.constant 0 : i32
      %dma_start3A_547 = tpu.memref_slice %arg6[%dma_start3A_545, %dma_start3A_546] : memref<10240x128xf32, #tpu.memory_space<vmem_shared>> -> memref<10240x128xf32, #tpu.memory_space<vmem_shared>>
      tpu.enqueue_indirect_dma source(%arg9 : memref<80x128xf32, #tpu.memory_space<vmem>>) target(%dma_start3A_547 : memref<10240x128xf32, #tpu.memory_space<vmem_shared>>) offsets(%dma_start3A_544 : memref<80xi32, #tpu.memory_space<vmem>>) semaphore(%run_scoped3A_541 : memref<!tpu.dma_semaphore, #tpu.memory_space<semaphore_mem>>) {add = true}
      %dma_wait3A_548 = arith.constant 0 : i32
      %dma_wait3A_549 = tpu.memref_slice %arg8[%run_scoped3A, %dma_wait3A_548] : memref<125x80xi32, #tpu.memory_space<vmem>> -> memref<1x80xi32, #tpu.memory_space<vmem>>
      %dma_wait3A_550 = tpu.memref_squeeze %dma_wait3A_549 : memref<1x80xi32, #tpu.memory_space<vmem>> -> memref<80xi32, #tpu.memory_space<vmem>>
      %dma_wait3A_551 = arith.constant 0 : i32
      %dma_wait3A_552 = arith.constant 0 : i32
      %dma_wait3A_553 = tpu.memref_slice %arg6[%dma_wait3A_551, %dma_wait3A_552] : memref<10240x128xf32, #tpu.memory_space<vmem_shared>> -> memref<10240x128xf32, #tpu.memory_space<vmem_shared>>
      tpu.wait_indirect_dma semaphore(%run_scoped3A_541 : memref<!tpu.dma_semaphore, #tpu.memory_space<semaphore_mem>>) src(%arg9 : memref<80x128xf32, #tpu.memory_space<vmem>>) dst(%dma_wait3A_553 : memref<10240x128xf32, #tpu.memory_space<vmem_shared>>)
      tpu.yield
    }) : () -> ()
    %barrier3A_540 = arith.constant 0 : index
    tpu.barrier barrier_id(%barrier3A_540)
    "tpu.region"() ({
      %run_scoped3A_541 = tpu.sem_alloc : memref<!tpu.dma_semaphore, #tpu.memory_space<semaphore_mem>>
      %dma_start3A_542 = arith.constant 0 : i32
      %dma_start3A_543 = tpu.memref_slice %arg5[%arg0, %multiple_of3A, %dma_start3A_542] : memref<2x10240x128xf32, #tpu.memory_space<hbm>> -> memref<1x640x128xf32, #tpu.memory_space<hbm>>
      %dma_start3A_544 = tpu.memref_squeeze %dma_start3A_543 : memref<1x640x128xf32, #tpu.memory_space<hbm>> -> memref<640x128xf32, #tpu.memory_space<hbm>>
      %dma_start3A_545 = arith.constant 0 : i32
      %dma_start3A_546 = tpu.memref_slice %arg6[%multiple_of3A, %dma_start3A_545] : memref<10240x128xf32, #tpu.memory_space<vmem_shared>> -> memref<640x128xf32, #tpu.memory_space<vmem_shared>>
      tpu.enqueue_dma source(%dma_start3A_546 : memref<640x128xf32, #tpu.memory_space<vmem_shared>>) target(%dma_start3A_544 : memref<640x128xf32, #tpu.memory_space<hbm>>) target_semaphore(%run_scoped3A_541 : memref<!tpu.dma_semaphore, #tpu.memory_space<semaphore_mem>>)
      %dma_wait3A_547 = arith.constant 0 : i32
      %dma_wait3A_548 = tpu.memref_slice %arg5[%arg0, %multiple_of3A, %dma_wait3A_547] : memref<2x10240x128xf32, #tpu.memory_space<hbm>> -> memref<1x640x128xf32, #tpu.memory_space<hbm>>
      %dma_wait3A_549 = tpu.memref_squeeze %dma_wait3A_548 : memref<1x640x128xf32, #tpu.memory_space<hbm>> -> memref<640x128xf32, #tpu.memory_space<hbm>>
      %dma_wait3A_550 = arith.constant 0 : i32
      %dma_wait3A_551 = tpu.memref_slice %arg6[%multiple_of3A, %dma_wait3A_550] : memref<10240x128xf32, #tpu.memory_space<vmem_shared>> -> memref<640x128xf32, #tpu.memory_space<vmem_shared>>
      tpu.wait_dma2 semaphore(%run_scoped3A_541 : memref<!tpu.dma_semaphore, #tpu.memory_space<semaphore_mem>>) src(%dma_wait3A_551 : memref<640x128xf32, #tpu.memory_space<vmem_shared>>) dst(%dma_wait3A_549 : memref<640x128xf32, #tpu.memory_space<hbm>>)
      tpu.yield
    }) : () -> ()
    return
  }
}

module attributes {stable_mosaic.version = 14 : i64} {
  func.func @_tc_body(%arg0: i32, %arg1: memref<2000x128xf32, #tpu.memory_space<vmem>>, %arg2: memref<2x2000x128xf32, #tpu.memory_space<vmem>>, %arg3: memref<128x128xf32, #tpu.memory_space<vmem>>, %arg4: memref<1x128xf32, #tpu.memory_space<vmem>>, %arg5: memref<128x128xf32, #tpu.memory_space<vmem>>, %arg6: memref<1x128xf32, #tpu.memory_space<vmem>>, %arg7: memref<2000x128xf32, #tpu.memory_space<vmem>>) attributes {dimension_semantics = [#tpu.dimension_semantics<arbitrary>], iteration_bounds = array<i64: 5>, scalar_prefetch = 0 : i64, scratch_operands = 0 : i64, tpu.core_type = #tpu.core_type<tc>, window_params = [{transform_indices = @transform_0, window_bounds = array<i64: 2000, 128>}, {transform_indices = @transform_1, window_bounds = array<i64: 2, 2000, 128>}, {pipeline_mode = #tpu.pipeline_mode<synchronous>, transform_indices = @transform_2, window_bounds = array<i64: 128, 128>}, {pipeline_mode = #tpu.pipeline_mode<synchronous>, transform_indices = @transform_3, window_bounds = array<i64: 1, 128>}, {pipeline_mode = #tpu.pipeline_mode<synchronous>, transform_indices = @transform_4, window_bounds = array<i64: 128, 128>}, {pipeline_mode = #tpu.pipeline_mode<synchronous>, transform_indices = @transform_5, window_bounds = array<i64: 1, 128>}, {transform_indices = @transform_6, window_bounds = array<i64: 2000, 128>}]} {
    %get3A = arith.constant 0 : index
    %get3A_0 = arith.constant 0 : index
    %get3A_1 = vector.load %arg1[%get3A, %get3A_0] : memref<2000x128xf32, #tpu.memory_space<vmem>>, vector<2000x128xf32>
    %get3A_2 = arith.constant 0 : index
    %get3A_3 = arith.constant 0 : index
    %get3A_4 = arith.constant 0 : index
    %get3A_5 = vector.load %arg2[%get3A_2, %get3A_3, %get3A_4] : memref<2x2000x128xf32, #tpu.memory_space<vmem>>, vector<1x2000x128xf32>
    %get3A_6 = vector.shape_cast %get3A_5 : vector<1x2000x128xf32> to vector<2000x128xf32>
    %get3A_7 = arith.constant 1 : index
    %get3A_8 = arith.constant 0 : index
    %get3A_9 = arith.constant 0 : index
    %get3A_10 = vector.load %arg2[%get3A_7, %get3A_8, %get3A_9] : memref<2x2000x128xf32, #tpu.memory_space<vmem>>, vector<1x2000x128xf32>
    %get3A_11 = vector.shape_cast %get3A_10 : vector<1x2000x128xf32> to vector<2000x128xf32>
    %add3A = arith.addf %get3A_6, %get3A_11 : vector<2000x128xf32>
    %get3A_12 = arith.constant 0 : index
    %get3A_13 = arith.constant 0 : index
    %get3A_14 = vector.load %arg3[%get3A_12, %get3A_13] : memref<128x128xf32, #tpu.memory_space<vmem>>, vector<128x128xf32>
    %dot_general3A = arith.constant dense<0.000000e+00> : vector<2000x128xf32>
    %dot_general3A_15 = tpu.matmul %get3A_1, %get3A_14, %dot_general3A {dimension_numbers = #tpu.dot_dimension_numbers<[1], [0], [0], [1], [0, 0, 1, 1], [], []>, transpose_lhs_hint = false} : vector<2000x128xf32>, vector<128x128xf32>, vector<2000x128xf32> -> vector<2000x128xf32>
    %get3A_16 = arith.constant 0 : index
    %get3A_17 = arith.constant 0 : index
    %get3A_18 = vector.load %arg4[%get3A_16, %get3A_17] : memref<1x128xf32, #tpu.memory_space<vmem>>, vector<1x128xf32>
    %add3A_19 = vector.broadcast %get3A_18 : vector<1x128xf32> to vector<2000x128xf32>
    %add3A_20 = arith.addf %dot_general3A_15, %add3A_19 : vector<2000x128xf32>
    %max3A = arith.constant 0.000000e+00 : f32
    %max3A_21 = vector.broadcast %max3A : f32 to vector<2000x128xf32>
    %max3A_22 = arith.maximumf %add3A_20, %max3A_21 : vector<2000x128xf32>
    %get3A_23 = arith.constant 0 : index
    %get3A_24 = arith.constant 0 : index
    %get3A_25 = vector.load %arg5[%get3A_23, %get3A_24] : memref<128x128xf32, #tpu.memory_space<vmem>>, vector<128x128xf32>
    %dot_general3A_26 = arith.constant dense<0.000000e+00> : vector<2000x128xf32>
    %dot_general3A_27 = tpu.matmul %add3A, %get3A_25, %dot_general3A_26 {dimension_numbers = #tpu.dot_dimension_numbers<[1], [0], [0], [1], [0, 0, 1, 1], [], []>, transpose_lhs_hint = false} : vector<2000x128xf32>, vector<128x128xf32>, vector<2000x128xf32> -> vector<2000x128xf32>
    %get3A_28 = arith.constant 0 : index
    %get3A_29 = arith.constant 0 : index
    %get3A_30 = vector.load %arg6[%get3A_28, %get3A_29] : memref<1x128xf32, #tpu.memory_space<vmem>>, vector<1x128xf32>
    %add3A_31 = vector.broadcast %get3A_30 : vector<1x128xf32> to vector<2000x128xf32>
    %add3A_32 = arith.addf %dot_general3A_27, %add3A_31 : vector<2000x128xf32>
    %max3A_33 = arith.constant 0.000000e+00 : f32
    %max3A_34 = vector.broadcast %max3A_33 : f32 to vector<2000x128xf32>
    %max3A_35 = arith.maximumf %add3A_32, %max3A_34 : vector<2000x128xf32>
    %min3A = arith.minimumf %get3A_1, %max3A_35 : vector<2000x128xf32>
    %add3A_36 = arith.addf %max3A_22, %min3A : vector<2000x128xf32>
    %max3A_37 = arith.constant 0.000000e+00 : f32
    %max3A_38 = vector.broadcast %max3A_37 : f32 to vector<2000x128xf32>
    %max3A_39 = arith.maximumf %add3A_36, %max3A_38 : vector<2000x128xf32>
    %swap3A = arith.constant 0 : index
    %swap3A_40 = arith.constant 0 : index
    %swap3A_41 = vector.load %arg7[%swap3A, %swap3A_40] : memref<2000x128xf32, #tpu.memory_space<vmem>>, vector<2000x128xf32>
    tpu.vector_store %arg7[%swap3A, %swap3A_40], %max3A_39 {strides = array<i32>} : memref<2000x128xf32, #tpu.memory_space<vmem>>, vector<2000x128xf32>,
    return
  }
  func.func @transform_0(%arg0: i32) -> (i32, i32) {
    %c0_i32 = arith.constant 0 : i32
    %c0_i32_0 = arith.constant 0 : i32
    return %arg0, %c0_i32 : i32, i32
  }
  func.func @transform_1(%arg0: i32) -> (i32, i32, i32) {
    %c0_i32 = arith.constant 0 : i32
    %c0_i32_0 = arith.constant 0 : i32
    %c0_i32_1 = arith.constant 0 : i32
    return %c0_i32, %arg0, %c0_i32_0 : i32, i32, i32
  }
  func.func @transform_2(%arg0: i32) -> (i32, i32) {
    %c0_i32 = arith.constant 0 : i32
    %c0_i32_0 = arith.constant 0 : i32
    %c0_i32_1 = arith.constant 0 : i32
    return %c0_i32, %c0_i32_0 : i32, i32
  }
  func.func @transform_3(%arg0: i32) -> (i32, i32) {
    %c0_i32 = arith.constant 0 : i32
    %c0_i32_0 = arith.constant 0 : i32
    %c0_i32_1 = arith.constant 0 : i32
    return %c0_i32, %c0_i32_0 : i32, i32
  }
  func.func @transform_4(%arg0: i32) -> (i32, i32) {
    %c0_i32 = arith.constant 0 : i32
    %c0_i32_0 = arith.constant 0 : i32
    %c0_i32_1 = arith.constant 0 : i32
    return %c0_i32, %c0_i32_0 : i32, i32
  }
  func.func @transform_5(%arg0: i32) -> (i32, i32) {
    %c0_i32 = arith.constant 0 : i32
    %c0_i32_0 = arith.constant 0 : i32
    %c0_i32_1 = arith.constant 0 : i32
    return %c0_i32, %c0_i32_0 : i32, i32
  }
  func.func @transform_6(%arg0: i32) -> (i32, i32) {
    %c0_i32 = arith.constant 0 : i32
    %c0_i32_0 = arith.constant 0 : i32
    return %arg0, %c0_i32 : i32, i32
  }
}

</mosaic_0001>

<sc_bundles>
// kernel: kernel.4.cloned.1.call-start
scs
__scs_entry_jumppad:
0x0: {  	(pc) =	sbr.rel $0x88, $3  }
0x1: {  	(tag) =	ssettag $0x0;
	lr =	simm.s32 $0x1  }
0x2: {  	[smem:$0x3F9B] =	sst lr;
	_ =	strace $0xD0000000  }
0x3: {  	_ = 	snop  }
0x4: {  	_ = 	snop  }
0x5: {  	_ = 	snop  }
0x6: {  	_ = 	snop  }
0x7: {  	_ = 	snop  }
__scs_overlays_trampoline_lowered:
0x8: {  	[smem:$0x3FAA] =	sst s0  }
0x9: {  	[smem:$0x3FAB] =	sst s1  }
0xa: {  	[smem:$0x3FAC] =	sst s2  }
0xb: {  	[smem:$0x3FAD] =	sst s3  }
0xc: {  	[smem:$0x3FAE] =	sst s4  }
0xd: {  	[smem:$0x3FAF] =	sst s5  }
0xe: {  	[smem:$0x3FB0] =	sst s6  }
0xf: {  	[smem:$0x3FB1] =	sst s7  }
0x10: {  	[smem:$0x3FB2] =	sst s8  }
0x11: {  	[smem:$0x3FB3] =	sst s9;
	s0 =	simm.s32 @!p0 $0x0  }
0x12: {  	s1 =	sld [smem:$0x3F99];
	s0 =	simm.s32 @p0 $0x1  }
0x13: {  	[smem:$0x3FB4] =	sst s0;
	s0 =	simm.s32 @!p1 $0x0  }
0x14: {  	s2 =	sld [smem:$0x3F98];
	s0 =	simm.s32 @p1 $0x1  }
0x15: {  	[smem:$0x3FB5] =	sst s0;
	s0 =	simm.s32 @!p2 $0x0  }
0x16: {  	s3 =	sld [smem:$0x3FDB];
	s0 =	simm.s32 @p2 $0x1  }
0x17: {  	s4 =	simm.s32 $0x1BF5;
	[smem:$0x3FB7] =	sst s0  }
0x18: {  	s0 =	sld [smem:$0x3F9A];
	_ =	swait.ge [sflag:s4], $0x0  }
0x19: {  	s7 =	sld [smem:$0x3F9B]  }
0x1a: {  	s8 =	sadd.s32 $0xFFFFE003, lr  }
0x1b: {  	s9 =	sadd.s32 $0xFFFFFEF7, lr;
	s5 =	simm.s32 $0xFFFFFFFF;
	p2 =	slt.u32 s8, $0xFFFFF086  }
0x1c: {  	p1 =	slt.u32 s9, $0xF7A;
	s5 =	simm.s32 @!p2 $0x0  }
0x1d: {  	s5 =	simm.s32 @p1 $0x1;
	p0 =	seq.s32 s7, s2  }
0x1e: {  	s7 =	smul.u32 @!p0 $0xF7A, s2;
	p2 =	seq.s32 @!p0 s5, $0x0  }
0x1f: {  	s9 =	smul.u32 $0xF7A, s1;
	s8 =	simm.s32 @!p0 $0x1BF5;
	p2 =	por !p2, p0  }
0x20: {  	[sflag:s8] =	ssyncset.s32 @!p0 $0xFFFFF086;
	s6 =	sadd.s32 @!p0 s3, s7;
	s7 =	simm.s32 @!p0 $0x108  }
0x21: {  	s3 =	sadd.s32 s3, s9;
	s6 =	sadd.s32 @!p0 $0x88, s6;
	s7 =	simm.s32 @p2 $0x1082  }
0x22: {  	[simem:s7], [sflag:s8] =	dma.local @!p0 [hbm:s6], $0xF7A  }
0x23: {  	s9 =	sor.u32 $0xD0000000, s2;
	s6 =	simm.s32 $0x108;
	_ =	swait.ge @!p0 [sflag:s8], $0x0  }
0x24: {  	s3 =	sadd.s32 $0x88, s3;
	s6 =	simm.s32 @!p1 $0x1082;
	[sflag:s4] =	ssyncset.s32 $0xFFFFF086  }
0x25: {  	[simem:s6], [sflag:s4] =	dma.local [hbm:s3], $0xF7A  }
0x26: {  	[smem:$0x3F9B] =	sst s1;
	(tag) =	ssettag s2;
	_ =	strace s9  }
0x27: {  	s1 =	sld [smem:$0x3FAB]  }
0x28: {  	s2 =	sld [smem:$0x3FAC]  }
0x29: {  	s4 =	sld [smem:$0x3FAE]  }
0x2a: {  	p0 =	seq.s32 s5, $0x0;
	s5 =	sld [smem:$0x3FAF]  }
0x2b: {  	s6 =	sld [smem:$0x3FB0]  }
0x2c: {  	s7 =	sld [smem:$0x3FB1]  }
0x2d: {  	s3 =	simm.s32 $0x108;
	s8 =	sld [smem:$0x3FB2]  }
0x2e: {  	s3 =	simm.s32 @!p0 $0x1082;
	s9 =	sld [smem:$0x3FB3]  }
0x2f: {  	lr =	sadd.s32 s0, s3;
	s0 =	sld [smem:$0x3FAA]  }
0x30: {  	s3 =	sld [smem:$0x3FAD]  }
0x31: {  	[smem:$0x3FB6] =	sst s10  }
0x32: {  	s10 =	sld [smem:$0x3FB4];
	_ =	sdelay $0x3  }
0x33: {  	p0 =	seq.s32 s10, $0x1;
	s10 =	sld [smem:$0x3FB6];
	_ =	sdelay $0x3  }
0x34: {  	[smem:$0x3FB6] =	sst s10  }
0x35: {  	s10 =	sld [smem:$0x3FB5];
	_ =	sdelay $0x3  }
0x36: {  	p1 =	seq.s32 s10, $0x1;
	s10 =	sld [smem:$0x3FB6];
	_ =	sdelay $0x3  }
0x37: {  	[smem:$0x3FB6] =	sst s10  }
0x38: {  	s10 =	sld [smem:$0x3FB7]  }
0x39: {  	_ = 	snop;
	(pc) =	sbr.ind lr, $3  }
0x3a: {  	_ = 	snop  }
0x3b: {  	_ = 	snop  }
0x3c: {  	p2 =	seq.s32 s10, $0x1;
	s10 =	sld [smem:$0x3FB6]  }
0x3d: {  	_ =	shalt  }
0x3e: {  	_ =	shalt  }
0x3f: {  	_ =	shalt  }
0x40: {  	_ =	shalt  }
0x41: {  	_ =	shalt  }
0x42: {  	_ =	shalt  }
0x43: {  	_ =	shalt  }
0x44: {  	_ =	shalt  }
0x45: {  	_ =	shalt  }
0x46: {  	_ =	shalt  }
0x47: {  	_ =	shalt  }
0x48: {  	_ =	shalt  }
0x49: {  	_ =	shalt  }
0x4a: {  	_ =	shalt  }
0x4b: {  	_ =	shalt  }
0x4c: {  	_ =	shalt  }
0x4d: {  	_ =	shalt  }
0x4e: {  	_ =	shalt  }
0x4f: {  	_ =	shalt  }
0x50: {  	_ =	shalt  }
0x51: {  	_ =	shalt  }
0x52: {  	_ =	shalt  }
0x53: {  	_ =	shalt  }
0x54: {  	_ =	shalt  }
0x55: {  	_ =	shalt  }
0x56: {  	_ =	shalt  }
0x57: {  	_ =	shalt  }
0x58: {  	_ =	shalt  }
0x59: {  	_ =	shalt  }
0x5a: {  	_ =	shalt  }
0x5b: {  	_ =	shalt  }
0x5c: {  	_ =	shalt  }
0x5d: {  	_ =	shalt  }
0x5e: {  	_ =	shalt  }
0x5f: {  	_ =	shalt  }
0x60: {  	_ =	shalt  }
0x61: {  	_ =	shalt  }
0x62: {  	_ =	shalt  }
0x63: {  	_ =	shalt  }
0x64: {  	_ =	shalt  }
0x65: {  	_ =	shalt  }
0x66: {  	_ =	shalt  }
0x67: {  	_ =	shalt  }
0x68: {  	_ =	shalt  }
0x69: {  	_ =	shalt  }
0x6a: {  	_ =	shalt  }
0x6b: {  	_ =	shalt  }
0x6c: {  	_ =	shalt  }
0x6d: {  	_ =	shalt  }
0x6e: {  	_ =	shalt  }
0x6f: {  	_ =	shalt  }
0x70: {  	_ =	shalt  }
0x71: {  	_ =	shalt  }
0x72: {  	_ =	shalt  }
0x73: {  	_ =	shalt  }
0x74: {  	_ =	shalt  }
0x75: {  	_ =	shalt  }
0x76: {  	_ =	shalt  }
0x77: {  	_ =	shalt  }
0x78: {  	_ =	shalt  }
0x79: {  	_ =	shalt  }
0x7a: {  	_ =	shalt  }
0x7b: {  	_ =	shalt  }
0x7c: {  	_ =	shalt  }
0x7d: {  	_ =	shalt  }
0x7e: {  	_ =	shalt  }
0x7f: {  	_ =	shalt  }
0x80: {  	_ =	shalt  }
0x81: {  	_ =	shalt  }
0x82: {  	_ =	shalt  }
0x83: {  	_ =	shalt  }
0x84: {  	_ =	shalt  }
0x85: {  	_ =	shalt  }
0x86: {  	_ =	shalt  }
0x87: {  	_ =	shalt  }
.Lfunc_end0:
.L_simem_size_0:
called_computation_lowered:
.L_overlay_start_0:
0x88: {  	s2 =	sld [smem:$0x3FD9]  }
0x89: {  	s3 =	sld [smem:$0x3FFE];
	_ =	sdelay $0x1  }
0x8a: {  	s1 =	srdreg.scid  }
0x8b: {  	s0 =	sand.u32 $0x1, s1  }
0x8c: {  	s17 =	sshll.u32 s0, $0xA;
	s2 =	sadd.s32 s3, s2  }
0x8d: {  	s2 =	sadd.s32 s2, s17  }
0x8e: {  	[smem:$0x3FC2] =	sst s2  }
0x8f: {  	_ = 	snop  }
0x90: {  	s2 =	sld [smem:$0x3FC9]  }
0x91: {  	s18 =	sld [smem:$0x3FD0];
	(tm) =	ssettm $0x1  }
0x92: {  	s4 =	sld [smem:$0x3FFB];
	_ =	sdelay $0x3  }
0x93: {  	_ =	strace s4  }
0x94: {  	s4 =	sld [smem:$0x3FFC];
	_ =	sdelay $0x3  }
0x95: {  	_ =	strace s4  }
0x96: {  	s4 =	sld [smem:$0x3FFD];
	_ =	sdelay $0x3  }
0x97: {  	_ =	strace s4  }
0x98: {  	_ =	strace $0x8FFFFFFF  }
0x99: {  	s19 =	sld [smem:$0x3FDB];
	_ =	sdelay $0x1  }
0x9a: {  	s5 =	simm.s32 $_scs_section_size  }
0x9b: {  	s6 =	simm.s32 $_size__tile_overlayer_lowered;
	s7 =	simm.s32 $_tile_overlayer_lowered  }
0x9c: {  	s22 =	simm.s32 $0x1BFF;
	s21 =	sshll.u32 s7, $0x1;
	s4 =	sadd.s32 s5, s19  }
0x9d: {  	s8 =	simm.s32 $0x0;
	s20 =	sshll.u32 s6, $0x1;
	s6 =	sadd.s32 s21, s4  }
0x9e: {  	[timem:s8], [sflag:s22] =	dma.local [hbm:s6], s20  }
0x9f: {  	_ =	swait.ge [sflag:s22], s20  }
0xa0: {  	s5 =	ssub.s32 $0x0, s20;
	[sflag:s22] =	ssyncset.done $0x0  }
0xa1: {  	[sflag:s22] =	ssyncadd.s32 s5;
	_ =	sdelay $0x1  }
0xa2: {  	s23 =	simm.s32 $0x1B8B  }
0xa3: {  	_ =	swait.ge [sflag:s23], $0x1  }
0xa4: {  	[sflag:s23] =	ssyncset.done $0x0  }
0xa5: {  	s25 =	simm.s32 $0x1B8E;
	s24 =	sld [smem:$0x3FFE];
	[sflag:s23] =	ssyncadd.s32 $0xFFFFFFFF  }
0xa6: {  	s26 =	simm.s32 $execute0_lowered;
	[smem:$0x3FD2] =	sst s25  }
0xa7: {  	s6 =	sshll.u32 s26, $0x1;
	_ =	strace $0x80000046;
	[dreg:$0x1] =	wrdreg $0xFFFFFFFF  }
0xa8: {  	s28 =	simm.s32 $_size_execute0_lowered;
	s4 =	sadd.s32 s4, s6;
	[dreg:$0x0] =	wrdreg $0x0  }
0xa9: {  	s6 =	sshll.u32 s28, $0x1;
	[dreg:$0x2] =	wrdreg s4  }
0xaa: {  	[dreg:$0x3] =	wrdreg s6  }
0xab: {  	[dreg:$0x4] =	wrdreg $0xC0  }
0xac: {  	_ =	task [dreg:s8], $0x5FFFF  }
0xad: {  	[dreg:$0x1] =	wrdreg $0xFFFFFFFF  }
0xae: {  	[dreg:$0x0] =	wrdreg $0x60  }
0xaf: {  	[dreg:$0x2] =	wrdreg s2  }
0xb0: {  	[dreg:$0x3] =	wrdreg s24  }
0xb1: {  	[dreg:$0x4] =	wrdreg s18  }
0xb2: {  	[dreg:$0x5] =	wrdreg $0x0  }
0xb3: {  	[dreg:$0x6] =	wrdreg $0x9  }
0xb4: {  	_ =	task.clear_ibuf [dreg:s8], $0x7FFFF;
	_ =	strace $0x90000046  }
0xb5: {  	s29 =	simm.s32 $0x9;
	_ =	strace $0x80000048  }
0xb6: {  	_ =	swait.ge [sflag:s29], $0x1  }
0xb7: {  	[sflag:s29] =	ssyncadd.s32 $0xFFFFFFFF  }
0xb8: {  	_ =	strace $0x90000048  }
0xb9: {  	_ =	sfence  }
0xba: {  	s30 =	sld [smem:$0x0];
	_ =	sdelay $0x2  }
0xbb: {  	s31 =	sshll.u32 s1, $0xD;
	s1 =	sshrl.u32 s1, $0x2  }
0xbc: {  	s3 =	sand.u32 $0x4000, s31;
	s1 =	sadd.s32 s1, s30  }
0xbd: {  	s0 =	sor.u32 s3, s0;
	s1 =	sshll.u32 s1, $0x11  }
0xbe: {  	s0 =	sor.u32 s1, s0  }
0xbf: {  	s0 =	sadd.s32 $0x8F2B, s0  }
0xc0: {  	[sflag:s0] =	ssyncadd.remote.s32 $0x1  }
0xc1: {  	_ =	sfence.sel $0xFFFF  }
0xc2: {  	[dreg:$0x0] =	wrdreg $0xFFFFFFFF;
	(pc) =	sbr.abs _section_cstart, $3  }
0xc3: {  	[dreg:$0x1] =	wrdreg $0xFFFFFFFF  }
0xc4: {  	_ =	task.clear_ibuf [dreg:s8], $0x2FFFF;
	_ =	strace $0x9FFFFFFF  }
0xc5: {  	(tm) =	ssettm $0x7FFFFFFF  }
tec
execute0_lowered:
.L_overlay_start_1:
0x0: {  	(tag) =	ssettag $0x1  }
0x1: {  	s1 =	rddreg [dreg:$0x0]  }
0x2: {  	s0 =	rddreg [dreg:$0x1]  }
0x3: {  	s2 =	rddreg [dreg:$0x2]  }
0x4: {  	s3 =	srdreg.scid;
	s10 =	stileid.u32;
	s11 =	simm.s32 $0x0  }
0x5: {  	s4 =	sand.u32 $0x1, s3;
	s5 =	sshll.u32 s10, $0x1;
	s9 =	smul.u32 $0x14000, s10  }
0x6: {  	s6 =	sshrl.u32 s10, $0x2;
	s3 =	rddreg [dreg:$0x3];
	s18 =	smul.u32 $0x50000, s10  }
0x7: {  	[smem:$0x7FF] =	sst s11;
	s5 =	sor.u32 s4, s5;
	s6 =	smul.u32 $0x13C00, s6  }
0x8: {  	s8 =	smul.u32 $0x140000, s4;
	_ =	strace $0x80000047;
	s4 =	ssub.s32 $0x2, s4  }
0x9: {  	s7 =	sshll.u32 s5, $0x7;
	s19 =	sshrl.u32 s4, $0x1;
	s5 =	sshll.u32 s5, $0xB  }
0xa: {  	s20 =	sshrl.u32 s18, $0x2;
	s7 =	sand.u32 $0x380, s7;
	s17 =	sadd.s32 s9, s8  }
0xb: {  	s4 =	ssub.s32 s4, s19;
	s2 =	sadd.s32 s5, s2;
	s6 =	sor.u32 s6, s7  }
0xc: {  	s7 =	sshrl.u32 s17, $0x3;
	s2 =	sadd.s32 $0x10000, s2;
	s6 =	sshrl.u32 s6, $0x3  }
0xd: {  	s16 =	smax.u32 s4, $0x1;
	[dreg:$0x6] =	wrdreg s2;
	s6 =	sadd.s32 s6, s0  }
0xe: {  	[dreg:$0x18] =	wrdreg s16;
	s0 =	sadd.s32 s7, s0;
	s6 =	sadd.s32 $0x1800, s6  }
0xf: {  	s0 =	sadd.s32 $0x15400, s0;
	[dreg:$0x5] =	wrdreg s6;
	s6 =	sadd.s32 s20, s3  }
0x10: {  	[dreg:$0x17] =	wrdreg s0;
	s21 =	sadd.s32 $0x800, s6  }
0x11: {  	s22 =	sadd.s32 $0x1000, s6;
	[dreg:$0x7] =	wrdreg s21  }
0x12: {  	s23 =	sadd.s32 $0x1800, s6;
	[dreg:$0x8] =	wrdreg s22  }
0x13: {  	s24 =	sadd.s32 $0x2000, s6;
	[dreg:$0x9] =	wrdreg s23  }
0x14: {  	s25 =	sadd.s32 $0x2800, s6;
	[dreg:$0xa] =	wrdreg s24  }
0x15: {  	s26 =	sadd.s32 $0x3000, s6;
	[dreg:$0xb] =	wrdreg s25  }
0x16: {  	s5 =	sadd.s32 $0x3800, s6;
	[dreg:$0xc] =	wrdreg s26  }
0x17: {  	s7 =	sadd.s32 $0x4000, s6;
	[dreg:$0xd] =	wrdreg s5  }
0x18: {  	s8 =	sadd.s32 $0x4800, s6;
	[dreg:$0xe] =	wrdreg s7  }
0x19: {  	s9 =	sadd.s32 $0x5000, s6;
	[dreg:$0xf] =	wrdreg s8  }
0x1a: {  	s10 =	sadd.s32 $0x5800, s6;
	[dreg:$0x10] =	wrdreg s9  }
0x1b: {  	s11 =	sadd.s32 $0x6000, s6;
	[dreg:$0x11] =	wrdreg s10  }
0x1c: {  	s12 =	sadd.s32 $0x6800, s6;
	[dreg:$0x12] =	wrdreg s11  }
0x1d: {  	s13 =	sadd.s32 $0x7000, s6;
	[dreg:$0x13] =	wrdreg s12  }
0x1e: {  	s14 =	sadd.s32 $0x7800, s6;
	[dreg:$0x14] =	wrdreg s13  }
0x1f: {  	s15 =	sadd.s32 $0x8000, s6;
	[dreg:$0x15] =	wrdreg s14  }
0x20: {  	s17 =	sadd.s32 $0x8800, s6;
	[dreg:$0x16] =	wrdreg s15  }
0x21: {  	s28 =	simm.s32 $0x1CF80;
	s18 =	sadd.s32 $0x9000, s6;
	[dreg:$0x19] =	wrdreg s17  }
0x22: {  	s29 =	simm.s32 $0x3;
	s19 =	sadd.s32 $0x9800, s6;
	[dreg:$0x1a] =	wrdreg s18  }
0x23: {  	s30 =	simm.s32 $0x4;
	s20 =	sadd.s32 $0xA000, s6;
	[dreg:$0x1b] =	wrdreg s19  }
0x24: {  	s31 =	simm.s32 $0x0;
	s16 =	sadd.s32 $0x11800, s6;
	[dreg:$0x1c] =	wrdreg s20  }
0x25: {  	s21 =	sadd.s32 $0xA800, s6;
	s22 =	sadd.s32 $0xB000, s6;
	s23 =	sadd.s32 $0xB800, s6  }
0x26: {  	s24 =	sadd.s32 $0xC000, s6;
	s25 =	sadd.s32 $0xC800, s6;
	s26 =	sadd.s32 $0xD000, s6  }
0x27: {  	s8 =	sadd.s32 $0xD800, s6;
	s9 =	sadd.s32 $0xE000, s6;
	[dreg:$0x1d] =	wrdreg s21  }
0x28: {  	s10 =	sadd.s32 $0xE800, s6;
	s11 =	sadd.s32 $0xF000, s6;
	[dreg:$0x1e] =	wrdreg s22  }
0x29: {  	s12 =	sadd.s32 $0xF800, s6;
	s13 =	sadd.s32 $0x10000, s6;
	[dreg:$0x1f] =	wrdreg s23  }
0x2a: {  	s14 =	sadd.s32 $0x10800, s6;
	s15 =	sadd.s32 $0x11000, s6;
	[smem:$0x7FB] =	sst s24  }
0x2b: {  	s17 =	sadd.s32 $0x12000, s6;
	s18 =	sadd.s32 $0x12800, s6;
	[smem:$0x7FC] =	sst s25  }
0x2c: {  	s19 =	sadd.s32 $0x13000, s6;
	s20 =	sadd.s32 $0x13800, s6;
	[smem:$0x7FD] =	sst s26  }
0x2d: {  	s21 =	simm.s32 $0x14000;
	s22 =	simm.s32 $0x1F780;
	s23 =	simm.s32 $0x1  }
0x2e: {  	v0 =	vimm.f32 $0.0e+00;
	s24 =	simm.s32 $0x50;
	s25 =	simm.s32 $0x1A780;
	s26 =	simm.s32 $0x2  }
.LBB2_1:
0x2f: {  	s0 =	rddreg [dreg:$0x5];
	s2 =	simm.s32 $0x80  }
0x30: {  	s4 =	simm.s32 $0x400;
	s5 =	rddreg [dreg:$0x6];
	s7 =	simm.s32 $0x16780  }
0x31: {  	[tilespmem:s21], [sflag:$0x1] =	stream.strided.gather [hbm4b:s0+s2], $0x2780, s4, s2, $0x38;
	[tilespmem:$0x1FF80] =	vst v63  }
0x32: {  	s4 =	simm.s32 $0x0;
	s0 =	simm.s32 $0x0;
	s2 =	simm.s32 $0x200  }
0x33: {  	[tilespmem:s7], [sflag:$0x2] =	stream.linear.gather [hbm4b:s5+s4], $0x3E80, $0x38;
	[tilespmem:$0x1FF80] =	vst v63  }
.LBB2_2:
0x34: {  	p0 =	sne.s32 s2, $0x1E00;
	[tilespmem:s0+$0x1F7F0] =	vst v0  }
0x35: {  	[tilespmem:s0+$0x1F780] =	vst v0  }
0x36: {  	[tilespmem:s0+$0x1F790] =	vst v0  }
.Ltmp0:
0x37: {  	[tilespmem:s0+$0x1F7A0] =	vst v0;
	(pc) =	sbr.rel @p0 .LBB2_2-.Ltmp0, $4  }
0x38: {  	[tilespmem:s0+$0x1F7B0] =	vst v0  }
0x39: {  	[tilespmem:s0+$0x1F7C0] =	vst v0  }
0x3a: {  	[tilespmem:s0+$0x1F7D0] =	vst v0  }
0x3b: {  	[tilespmem:s0+$0x1F7E0] =	vst v0;
	s0 =	sshra.s32 s2, $0x2;
	s2 =	sadd.s32 $0x200, s2  }
0x3c: {  	[tilespmem:s0+$0x1F7F0] =	vst v0  }
0x3d: {  	[tilespmem:s0+$0x1F780] =	vst v0  }
0x3e: {  	[tilespmem:s0+$0x1F790] =	vst v0  }
0x3f: {  	[tilespmem:s0+$0x1F7A0] =	vst v0  }
0x40: {  	[tilespmem:s0+$0x1F7B0] =	vst v0  }
0x41: {  	[tilespmem:s0+$0x1F7C0] =	vst v0  }
0x42: {  	[tilespmem:s0+$0x1F7D0] =	vst v0  }
0x43: {  	[tilespmem:s0+$0x1F7E0] =	vst v0;
	s5 =	rddreg [dreg:$0x7]  }
0x44: {  	[spmem:s6] =	stream.linear.scatter [tilespmem:s22], [sflag:$0x3], $0x800, $0x38;
	[tilespmem:$0x1FF80] =	vst v63  }
0x45: {  	s7 =	rddreg [dreg:$0x8]  }
0x46: {  	[spmem:s5] =	stream.linear.scatter [tilespmem:s22], [sflag:$0x3], $0x800, $0x38;
	[tilespmem:$0x1FF80] =	vst v63  }
0x47: {  	s2 =	rddreg [dreg:$0x9]  }
0x48: {  	[spmem:s7] =	stream.linear.scatter [tilespmem:s22], [sflag:$0x3], $0x800, $0x38;
	[tilespmem:$0x1FF80] =	vst v63  }
0x49: {  	s4 =	rddreg [dreg:$0xa]  }
0x4a: {  	[spmem:s2] =	stream.linear.scatter [tilespmem:s22], [sflag:$0x3], $0x800, $0x38;
	[tilespmem:$0x1FF80] =	vst v63  }
0x4b: {  	s5 =	rddreg [dreg:$0xb]  }
0x4c: {  	[spmem:s4] =	stream.linear.scatter [tilespmem:s22], [sflag:$0x3], $0x800, $0x38;
	[tilespmem:$0x1FF80] =	vst v63  }
0x4d: {  	s7 =	rddreg [dreg:$0xc]  }
0x4e: {  	[spmem:s5] =	stream.linear.scatter [tilespmem:s22], [sflag:$0x3], $0x800, $0x38;
	[tilespmem:$0x1FF80] =	vst v63  }
0x4f: {  	s2 =	rddreg [dreg:$0xd]  }
0x50: {  	[spmem:s7] =	stream.linear.scatter [tilespmem:s22], [sflag:$0x3], $0x800, $0x38;
	[tilespmem:$0x1FF80] =	vst v63  }
0x51: {  	s4 =	rddreg [dreg:$0xe]  }
0x52: {  	[spmem:s2] =	stream.linear.scatter [tilespmem:s22], [sflag:$0x3], $0x800, $0x38;
	[tilespmem:$0x1FF80] =	vst v63  }
0x53: {  	s5 =	rddreg [dreg:$0xf]  }
0x54: {  	[spmem:s4] =	stream.linear.scatter [tilespmem:s22], [sflag:$0x3], $0x800, $0x38;
	[tilespmem:$0x1FF80] =	vst v63  }
0x55: {  	s7 =	rddreg [dreg:$0x10]  }
0x56: {  	[spmem:s5] =	stream.linear.scatter [tilespmem:s22], [sflag:$0x3], $0x800, $0x38;
	[tilespmem:$0x1FF80] =	vst v63  }
0x57: {  	s2 =	rddreg [dreg:$0x11]  }
0x58: {  	[spmem:s7] =	stream.linear.scatter [tilespmem:s22], [sflag:$0x3], $0x800, $0x38;
	[tilespmem:$0x1FF80] =	vst v63  }
0x59: {  	s4 =	rddreg [dreg:$0x12]  }
0x5a: {  	[spmem:s2] =	stream.linear.scatter [tilespmem:s22], [sflag:$0x3], $0x800, $0x38;
	[tilespmem:$0x1FF80] =	vst v63  }
0x5b: {  	s5 =	rddreg [dreg:$0x13]  }
0x5c: {  	[spmem:s4] =	stream.linear.scatter [tilespmem:s22], [sflag:$0x3], $0x800, $0x38;
	[tilespmem:$0x1FF80] =	vst v63  }
0x5d: {  	s7 =	rddreg [dreg:$0x14]  }
0x5e: {  	[spmem:s5] =	stream.linear.scatter [tilespmem:s22], [sflag:$0x3], $0x800, $0x38;
	[tilespmem:$0x1FF80] =	vst v63  }
0x5f: {  	s2 =	rddreg [dreg:$0x15]  }
0x60: {  	[spmem:s7] =	stream.linear.scatter [tilespmem:s22], [sflag:$0x3], $0x800, $0x38;
	[tilespmem:$0x1FF80] =	vst v63  }
0x61: {  	s4 =	rddreg [dreg:$0x16]  }
0x62: {  	[spmem:s2] =	stream.linear.scatter [tilespmem:s22], [sflag:$0x3], $0x800, $0x38;
	[tilespmem:$0x1FF80] =	vst v63  }
0x63: {  	s5 =	rddreg [dreg:$0x19]  }
0x64: {  	[spmem:s4] =	stream.linear.scatter [tilespmem:s22], [sflag:$0x3], $0x800, $0x38;
	[tilespmem:$0x1FF80] =	vst v63  }
0x65: {  	s7 =	rddreg [dreg:$0x1a]  }
0x66: {  	[spmem:s5] =	stream.linear.scatter [tilespmem:s22], [sflag:$0x3], $0x800, $0x38;
	[tilespmem:$0x1FF80] =	vst v63  }
0x67: {  	s2 =	rddreg [dreg:$0x1b]  }
0x68: {  	[spmem:s7] =	stream.linear.scatter [tilespmem:s22], [sflag:$0x3], $0x800, $0x38;
	[tilespmem:$0x1FF80] =	vst v63  }
0x69: {  	s4 =	rddreg [dreg:$0x1c]  }
0x6a: {  	[spmem:s2] =	stream.linear.scatter [tilespmem:s22], [sflag:$0x3], $0x800, $0x38;
	[tilespmem:$0x1FF80] =	vst v63  }
0x6b: {  	s5 =	rddreg [dreg:$0x1d]  }
0x6c: {  	[spmem:s4] =	stream.linear.scatter [tilespmem:s22], [sflag:$0x3], $0x800, $0x38;
	[tilespmem:$0x1FF80] =	vst v63  }
0x6d: {  	s7 =	rddreg [dreg:$0x1e]  }
0x6e: {  	[spmem:s5] =	stream.linear.scatter [tilespmem:s22], [sflag:$0x3], $0x800, $0x38;
	[tilespmem:$0x1FF80] =	vst v63  }
0x6f: {  	s2 =	rddreg [dreg:$0x1f]  }
0x70: {  	[spmem:s7] =	stream.linear.scatter [tilespmem:s22], [sflag:$0x3], $0x800, $0x38;
	[tilespmem:$0x1FF80] =	vst v63  }
0x71: {  	s4 =	sld [smem:$0x7FB]  }
0x72: {  	[spmem:s2] =	stream.linear.scatter [tilespmem:s22], [sflag:$0x3], $0x800, $0x38;
	[tilespmem:$0x1FF80] =	vst v63  }
0x73: {  	s5 =	sld [smem:$0x7FC]  }
0x74: {  	[spmem:s4] =	stream.linear.scatter [tilespmem:s22], [sflag:$0x3], $0x800, $0x38;
	[tilespmem:$0x1FF80] =	vst v63  }
0x75: {  	s7 =	sld [smem:$0x7FD]  }
0x76: {  	[spmem:s5] =	stream.linear.scatter [tilespmem:s22], [sflag:$0x3], $0x800, $0x38;
	[tilespmem:$0x1FF80] =	vst v63  }
0x77: {  	_ = 	snop  }
0x78: {  	[spmem:s7] =	stream.linear.scatter [tilespmem:s22], [sflag:$0x3], $0x800, $0x38;
	[tilespmem:$0x1FF80] =	vst v63  }
0x79: {  	_ = 	snop  }
0x7a: {  	[spmem:s8] =	stream.linear.scatter [tilespmem:s22], [sflag:$0x3], $0x800, $0x38;
	[tilespmem:$0x1FF80] =	vst v63  }
0x7b: {  	_ = 	snop  }
0x7c: {  	[spmem:s9] =	stream.linear.scatter [tilespmem:s22], [sflag:$0x3], $0x800, $0x38;
	[tilespmem:$0x1FF80] =	vst v63  }
0x7d: {  	_ = 	snop  }
0x7e: {  	[spmem:s10] =	stream.linear.scatter [tilespmem:s22], [sflag:$0x3], $0x800, $0x38;
	[tilespmem:$0x1FF80] =	vst v63  }
0x7f: {  	_ = 	snop  }
0x80: {  	[spmem:s11] =	stream.linear.scatter [tilespmem:s22], [sflag:$0x3], $0x800, $0x38;
	[tilespmem:$0x1FF80] =	vst v63  }
0x81: {  	_ = 	snop  }
0x82: {  	[spmem:s12] =	stream.linear.scatter [tilespmem:s22], [sflag:$0x3], $0x800, $0x38;
	[tilespmem:$0x1FF80] =	vst v63  }
0x83: {  	_ = 	snop  }
0x84: {  	[spmem:s13] =	stream.linear.scatter [tilespmem:s22], [sflag:$0x3], $0x800, $0x38;
	[tilespmem:$0x1FF80] =	vst v63  }
0x85: {  	_ = 	snop  }
0x86: {  	[spmem:s14] =	stream.linear.scatter [tilespmem:s22], [sflag:$0x3], $0x800, $0x38;
	[tilespmem:$0x1FF80] =	vst v63  }
0x87: {  	_ = 	snop  }
0x88: {  	[spmem:s15] =	stream.linear.scatter [tilespmem:s22], [sflag:$0x3], $0x800, $0x38;
	[tilespmem:$0x1FF80] =	vst v63  }
0x89: {  	_ = 	snop  }
0x8a: {  	[spmem:s16] =	stream.linear.scatter [tilespmem:s22], [sflag:$0x3], $0x800, $0x38;
	[tilespmem:$0x1FF80] =	vst v63  }
0x8b: {  	_ = 	snop  }
0x8c: {  	[spmem:s17] =	stream.linear.scatter [tilespmem:s22], [sflag:$0x3], $0x800, $0x38;
	[tilespmem:$0x1FF80] =	vst v63  }
0x8d: {  	_ = 	snop  }
0x8e: {  	[spmem:s18] =	stream.linear.scatter [tilespmem:s22], [sflag:$0x3], $0x800, $0x38;
	[tilespmem:$0x1FF80] =	vst v63  }
0x8f: {  	_ = 	snop  }
0x90: {  	[spmem:s19] =	stream.linear.scatter [tilespmem:s22], [sflag:$0x3], $0x800, $0x38;
	[tilespmem:$0x1FF80] =	vst v63  }
0x91: {  	_ = 	snop  }
0x92: {  	[spmem:s20] =	stream.linear.scatter [tilespmem:s22], [sflag:$0x3], $0x800, $0x38;
	[tilespmem:$0x1FF80] =	vst v63  }
0x93: {  	_ =	swait.ge [sflag:s23], $0x2780  }
0x94: {  	[sflag:s23] =	ssyncset.done $0x0  }
0x95: {  	[sflag:s23] =	ssyncadd.s32 $0xFFFFD880  }
0x96: {  	[tilespmem:s25], [sflag:$0x1] =	stream.indirect.gather [hbm4b:s1+s24], $0x80, s21, s24, $0xb8;
	[tilespmem:$0x1FF80] =	vst v63  }
0x97: {  	_ =	swait.ge [sflag:s26], $0x3E80  }
0x98: {  	[sflag:s26] =	ssyncset.done $0x0  }
0x99: {  	s2 =	simm.s32 $0x14050;
	[sflag:s26] =	ssyncadd.s32 $0xFFFFC180  }
0x9a: {  	[tilespmem:s28], [sflag:$0x2] =	stream.indirect.gather [hbm4b:s1+s24], $0x80, s2, s24, $0xb8;
	[tilespmem:$0x1FF80] =	vst v63  }
0x9b: {  	_ =	swait.ge [sflag:s29], $0x800  }
0x9c: {  	[sflag:s29] =	ssyncset.done $0x0  }
0x9d: {  	[sflag:s29] =	ssyncadd.s32 $0xFFFFF800  }
0x9e: {  	_ =	swait.ge [sflag:s29], $0x800  }
0x9f: {  	[sflag:s29] =	ssyncset.done $0x0  }
0xa0: {  	[sflag:s29] =	ssyncadd.s32 $0xFFFFF800  }
0xa1: {  	_ =	swait.ge [sflag:s29], $0x800  }
0xa2: {  	[sflag:s29] =	ssyncset.done $0x0  }
0xa3: {  	[sflag:s29] =	ssyncadd.s32 $0xFFFFF800  }
0xa4: {  	_ =	swait.ge [sflag:s29], $0x800  }
0xa5: {  	[sflag:s29] =	ssyncset.done $0x0  }
0xa6: {  	[sflag:s29] =	ssyncadd.s32 $0xFFFFF800  }
0xa7: {  	_ =	swait.ge [sflag:s29], $0x800  }
0xa8: {  	[sflag:s29] =	ssyncset.done $0x0  }
0xa9: {  	[sflag:s29] =	ssyncadd.s32 $0xFFFFF800  }
0xaa: {  	_ =	swait.ge [sflag:s29], $0x800  }
0xab: {  	[sflag:s29] =	ssyncset.done $0x0  }
0xac: {  	[sflag:s29] =	ssyncadd.s32 $0xFFFFF800  }
0xad: {  	_ =	swait.ge [sflag:s29], $0x800  }
0xae: {  	[sflag:s29] =	ssyncset.done $0x0  }
0xaf: {  	[sflag:s29] =	ssyncadd.s32 $0xFFFFF800  }
0xb0: {  	_ =	swait.ge [sflag:s29], $0x800  }
0xb1: {  	[sflag:s29] =	ssyncset.done $0x0  }
0xb2: {  	[sflag:s29] =	ssyncadd.s32 $0xFFFFF800  }
0xb3: {  	_ =	swait.ge [sflag:s29], $0x800  }
0xb4: {  	[sflag:s29] =	ssyncset.done $0x0  }
0xb5: {  	[sflag:s29] =	ssyncadd.s32 $0xFFFFF800  }
0xb6: {  	_ =	swait.ge [sflag:s29], $0x800  }
0xb7: {  	[sflag:s29] =	ssyncset.done $0x0  }
0xb8: {  	[sflag:s29] =	ssyncadd.s32 $0xFFFFF800  }
0xb9: {  	_ =	swait.ge [sflag:s29], $0x800  }
0xba: {  	[sflag:s29] =	ssyncset.done $0x0  }
0xbb: {  	[sflag:s29] =	ssyncadd.s32 $0xFFFFF800  }
0xbc: {  	_ =	swait.ge [sflag:s29], $0x800  }
0xbd: {  	[sflag:s29] =	ssyncset.done $0x0  }
0xbe: {  	[sflag:s29] =	ssyncadd.s32 $0xFFFFF800  }
0xbf: {  	_ =	swait.ge [sflag:s29], $0x800  }
0xc0: {  	[sflag:s29] =	ssyncset.done $0x0  }
0xc1: {  	[sflag:s29] =	ssyncadd.s32 $0xFFFFF800  }
0xc2: {  	_ =	swait.ge [sflag:s29], $0x800  }
0xc3: {  	[sflag:s29] =	ssyncset.done $0x0  }
0xc4: {  	[sflag:s29] =	ssyncadd.s32 $0xFFFFF800  }
0xc5: {  	_ =	swait.ge [sflag:s29], $0x800  }
0xc6: {  	[sflag:s29] =	ssyncset.done $0x0  }
0xc7: {  	[sflag:s29] =	ssyncadd.s32 $0xFFFFF800  }
0xc8: {  	_ =	swait.ge [sflag:s29], $0x800  }
0xc9: {  	[sflag:s29] =	ssyncset.done $0x0  }
0xca: {  	[sflag:s29] =	ssyncadd.s32 $0xFFFFF800  }
0xcb: {  	_ =	swait.ge [sflag:s29], $0x800  }
0xcc: {  	[sflag:s29] =	ssyncset.done $0x0  }
0xcd: {  	[sflag:s29] =	ssyncadd.s32 $0xFFFFF800  }
0xce: {  	_ =	swait.ge [sflag:s29], $0x800  }
0xcf: {  	[sflag:s29] =	ssyncset.done $0x0  }
0xd0: {  	[sflag:s29] =	ssyncadd.s32 $0xFFFFF800  }
0xd1: {  	_ =	swait.ge [sflag:s29], $0x800  }
0xd2: {  	[sflag:s29] =	ssyncset.done $0x0  }
0xd3: {  	[sflag:s29] =	ssyncadd.s32 $0xFFFFF800  }
0xd4: {  	_ =	swait.ge [sflag:s29], $0x800  }
0xd5: {  	[sflag:s29] =	ssyncset.done $0x0  }
0xd6: {  	[sflag:s29] =	ssyncadd.s32 $0xFFFFF800  }
0xd7: {  	_ =	swait.ge [sflag:s29], $0x800  }
0xd8: {  	[sflag:s29] =	ssyncset.done $0x0  }
0xd9: {  	[sflag:s29] =	ssyncadd.s32 $0xFFFFF800  }
0xda: {  	_ =	swait.ge [sflag:s29], $0x800  }
0xdb: {  	[sflag:s29] =	ssyncset.done $0x0  }
0xdc: {  	[sflag:s29] =	ssyncadd.s32 $0xFFFFF800  }
0xdd: {  	_ =	swait.ge [sflag:s29], $0x800  }
0xde: {  	[sflag:s29] =	ssyncset.done $0x0  }
0xdf: {  	[sflag:s29] =	ssyncadd.s32 $0xFFFFF800  }
0xe0: {  	_ =	swait.ge [sflag:s29], $0x800  }
0xe1: {  	[sflag:s29] =	ssyncset.done $0x0  }
0xe2: {  	[sflag:s29] =	ssyncadd.s32 $0xFFFFF800  }
0xe3: {  	_ =	swait.ge [sflag:s29], $0x800  }
0xe4: {  	[sflag:s29] =	ssyncset.done $0x0  }
0xe5: {  	[sflag:s29] =	ssyncadd.s32 $0xFFFFF800  }
0xe6: {  	_ =	swait.ge [sflag:s29], $0x800  }
0xe7: {  	[sflag:s29] =	ssyncset.done $0x0  }
0xe8: {  	[sflag:s29] =	ssyncadd.s32 $0xFFFFF800  }
0xe9: {  	_ =	swait.ge [sflag:s29], $0x800  }
0xea: {  	[sflag:s29] =	ssyncset.done $0x0  }
0xeb: {  	[sflag:s29] =	ssyncadd.s32 $0xFFFFF800  }
0xec: {  	_ =	swait.ge [sflag:s29], $0x800  }
0xed: {  	[sflag:s29] =	ssyncset.done $0x0  }
0xee: {  	[sflag:s29] =	ssyncadd.s32 $0xFFFFF800  }
0xef: {  	_ =	swait.ge [sflag:s29], $0x800  }
0xf0: {  	[sflag:s29] =	ssyncset.done $0x0  }
0xf1: {  	[sflag:s29] =	ssyncadd.s32 $0xFFFFF800  }
0xf2: {  	_ =	swait.ge [sflag:s29], $0x800  }
0xf3: {  	[sflag:s29] =	ssyncset.done $0x0  }
0xf4: {  	[sflag:s29] =	ssyncadd.s32 $0xFFFFF800  }
0xf5: {  	_ =	swait.ge [sflag:s29], $0x800  }
0xf6: {  	[sflag:s29] =	ssyncset.done $0x0  }
0xf7: {  	[sflag:s29] =	ssyncadd.s32 $0xFFFFF800  }
0xf8: {  	_ =	swait.ge [sflag:s29], $0x800  }
0xf9: {  	[sflag:s29] =	ssyncset.done $0x0  }
0xfa: {  	[sflag:s29] =	ssyncadd.s32 $0xFFFFF800  }
0xfb: {  	_ =	swait.ge [sflag:s29], $0x800  }
0xfc: {  	[sflag:s29] =	ssyncset.done $0x0  }
0xfd: {  	[sflag:s29] =	ssyncadd.s32 $0xFFFFF800  }
0xfe: {  	_ =	swait.ge [sflag:s29], $0x800  }
0xff: {  	[sflag:s29] =	ssyncset.done $0x0  }
0x100: {  	[sflag:s29] =	ssyncadd.s32 $0xFFFFF800  }
0x101: {  	_ =	swait.ge [sflag:s29], $0x800  }
0x102: {  	[sflag:s29] =	ssyncset.done $0x0  }
0x103: {  	[sflag:s29] =	ssyncadd.s32 $0xFFFFF800  }
0x104: {  	_ =	swait.ge [sflag:s29], $0x800  }
0x105: {  	[sflag:s29] =	ssyncset.done $0x0  }
0x106: {  	[sflag:s29] =	ssyncadd.s32 $0xFFFFF800  }
0x107: {  	_ =	swait.ge [sflag:s29], $0x800  }
0x108: {  	[sflag:s29] =	ssyncset.done $0x0  }
0x109: {  	[sflag:s29] =	ssyncadd.s32 $0xFFFFF800  }
0x10a: {  	_ =	swait.ge [sflag:s29], $0x800  }
0x10b: {  	[sflag:s29] =	ssyncset.done $0x0  }
0x10c: {  	[sflag:s29] =	ssyncadd.s32 $0xFFFFF800  }
0x10d: {  	_ =	swait.ge [sflag:s29], $0x800  }
0x10e: {  	[sflag:s29] =	ssyncset.done $0x0  }
0x10f: {  	[sflag:s29] =	ssyncadd.s32 $0xFFFFF800  }
0x110: {  	_ =	swait.ge [sflag:s29], $0x800  }
0x111: {  	[sflag:s29] =	ssyncset.done $0x0  }
0x112: {  	[sflag:s29] =	ssyncadd.s32 $0xFFFFF800  }
0x113: {  	[bflag:$0x0] =	sbarrier.arrive $0xFFFF  }
0x114: {  	_ =	swait.ge [sflag:s23], $0x2800  }
0x115: {  	[sflag:s23] =	ssyncset.done $0x0  }
0x116: {  	s4 =	simm.s32 $0x16780;
	[sflag:s23] =	ssyncadd.s32 $0xFFFFD800  }
0x117: {  	[spmem:s3] =	stream.indirect.scatter.add.f32 [tilespmem:s25], [sflag:$0x4], $0x80, s4, s24, $0xb8;
	[tilespmem:$0x1FF80] =	vst v63  }
0x118: {  	_ =	swait.ge [sflag:s30], $0x2800  }
0x119: {  	[sflag:s30] =	ssyncset.done $0x0  }
0x11a: {  	s5 =	simm.s32 $0x140A0;
	[sflag:s30] =	ssyncadd.s32 $0xFFFFD800  }
0x11b: {  	[tilespmem:s25], [sflag:$0x1] =	stream.indirect.gather [hbm4b:s1+s24], $0x80, s5, s24, $0xb8;
	[tilespmem:$0x1FF80] =	vst v63  }
0x11c: {  	_ =	swait.ge [sflag:s26], $0x2800  }
0x11d: {  	[sflag:s26] =	ssyncset.done $0x0  }
0x11e: {  	s7 =	simm.s32 $0x16800;
	[sflag:s26] =	ssyncadd.s32 $0xFFFFD800  }
0x11f: {  	[spmem:s3] =	stream.indirect.scatter.add.f32 [tilespmem:s28], [sflag:$0x4], $0x80, s7, s24, $0xb8;
	[tilespmem:$0x1FF80] =	vst v63  }
0x120: {  	_ =	swait.ge [sflag:s30], $0x2800  }
0x121: {  	s0 =	simm.s32 $0x14190;
	[sflag:s30] =	ssyncset.done $0x0  }
0x122: {  	s2 =	simm.s32 $0x140F0;
	s4 =	simm.s32 $0x400;
	[sflag:s30] =	ssyncadd.s32 $0xFFFFD800  }
.LBB2_4:
0x123: {  	[tilespmem:s28], [sflag:$0x2] =	stream.indirect.gather [hbm4b:s1+s24], $0x80, s2, s24, $0xb8;
	[tilespmem:$0x1FF80] =	vst v63  }
0x124: {  	s5 =	smov.u32 s4;
	s2 =	smov.u32 s0  }
0x125: {  	p0 =	sne.s32 s4, $0xF000;
	s4 =	sadd.s32 $0x400, s4;
	_ =	swait.ge [sflag:s23], $0x2800  }
0x126: {  	s5 =	sshra.s32 s5, $0x2;
	[sflag:s23] =	ssyncset.done $0x0  }
0x127: {  	s7 =	sadd.s32 $0x16780, s5;
	[sflag:s23] =	ssyncadd.s32 $0xFFFFD800  }
0x128: {  	[spmem:s3] =	stream.indirect.scatter.add.f32 [tilespmem:s25], [sflag:$0x4], $0x80, s7, s24, $0xb8;
	[tilespmem:$0x1FF80] =	vst v63  }
0x129: {  	_ =	swait.ge [sflag:s30], $0x2800  }
0x12a: {  	[sflag:s30] =	ssyncset.done $0x0  }
0x12b: {  	s7 =	sadd.s32 $0xFFFFFFB0, s0;
	[sflag:s30] =	ssyncadd.s32 $0xFFFFD800  }
0x12c: {  	[tilespmem:s25], [sflag:$0x1] =	stream.indirect.gather [hbm4b:s1+s24], $0x80, s7, s24, $0xb8;
	[tilespmem:$0x1FF80] =	vst v63  }
0x12d: {  	_ =	swait.ge [sflag:s26], $0x2800  }
0x12e: {  	[sflag:s26] =	ssyncset.done $0x0  }
.Ltmp1:
0x12f: {  	s5 =	sadd.s32 $0x16800, s5;
	[sflag:s26] =	ssyncadd.s32 $0xFFFFD800;
	(pc) =	sbr.rel @p0 .LBB2_4-.Ltmp1, $4  }
0x130: {  	[spmem:s3] =	stream.indirect.scatter.add.f32 [tilespmem:s28], [sflag:$0x4], $0x80, s5, s24, $0xb8;
	[tilespmem:$0x1FF80] =	vst v63  }
0x131: {  	_ =	swait.ge [sflag:s30], $0x2800  }
0x132: {  	[sflag:s30] =	ssyncset.done $0x0  }
0x133: {  	s0 =	sadd.s32 $0xA0, s0;
	[sflag:s30] =	ssyncadd.s32 $0xFFFFD800  }
0x134: {  	[tilespmem:s28], [sflag:$0x2] =	stream.indirect.gather [hbm4b:s1+s24], $0x80, s2, s24, $0xb8;
	[tilespmem:$0x1FF80] =	vst v63  }
0x135: {  	_ =	swait.ge [sflag:s23], $0x2800  }
0x136: {  	[sflag:s23] =	ssyncset.done $0x0  }
0x137: {  	s0 =	simm.s32 $0x1A480;
	[sflag:s23] =	ssyncadd.s32 $0xFFFFD800  }
0x138: {  	[spmem:s3] =	stream.indirect.scatter.add.f32 [tilespmem:s25], [sflag:$0x4], $0x80, s0, s24, $0xb8;
	[tilespmem:$0x1FF80] =	vst v63  }
0x139: {  	_ =	swait.ge [sflag:s30], $0x2800  }
0x13a: {  	[sflag:s30] =	ssyncset.done $0x0  }
0x13b: {  	s5 =	simm.s32 $0x166C0;
	[sflag:s30] =	ssyncadd.s32 $0xFFFFD800  }
0x13c: {  	[tilespmem:s25], [sflag:$0x1] =	stream.indirect.gather [hbm4b:s1+s24], $0x80, s5, s24, $0xb8;
	[tilespmem:$0x1FF80] =	vst v63  }
0x13d: {  	_ =	swait.ge [sflag:s26], $0x2800  }
0x13e: {  	[sflag:s26] =	ssyncset.done $0x0  }
0x13f: {  	s7 =	simm.s32 $0x1A500;
	[sflag:s26] =	ssyncadd.s32 $0xFFFFD800  }
0x140: {  	[spmem:s3] =	stream.indirect.scatter.add.f32 [tilespmem:s28], [sflag:$0x4], $0x80, s7, s24, $0xb8;
	[tilespmem:$0x1FF80] =	vst v63  }
0x141: {  	_ =	swait.ge [sflag:s30], $0x2800  }
0x142: {  	[sflag:s30] =	ssyncset.done $0x0  }
0x143: {  	[sflag:s30] =	ssyncadd.s32 $0xFFFFD800  }
0x144: {  	_ =	swait.ge [sflag:s23], $0x2800  }
0x145: {  	[sflag:s23] =	ssyncset.done $0x0  }
0x146: {  	s2 =	simm.s32 $0x1A580;
	[sflag:s23] =	ssyncadd.s32 $0xFFFFD800  }
0x147: {  	[spmem:s3] =	stream.indirect.scatter.add.f32 [tilespmem:s25], [sflag:$0x4], $0x80, s2, s24, $0xb8;
	[tilespmem:$0x1FF80] =	vst v63  }
0x148: {  	_ =	swait.ge [sflag:s30], $0x2800  }
0x149: {  	[sflag:s30] =	ssyncset.done $0x0  }
0x14a: {  	s4 =	stileid.u32;
	[sflag:s30] =	ssyncadd.s32 $0xFFFFD800  }
0x14b: {  	s0 =	sshll.u32 s4, $0x6;
	[bflag:$0x0] =	sbarrier.arrive $0xFFFF  }
0x14c: {  	s0 =	sor.u32 $0x1C04, s0;
	s5 =	sshrl.u32 s6, $0x3;
	s4 =	rddreg [dreg:$0x17]  }
0x14d: {  	[hbm:s4], [sflag:s0] =	dma.local [spmem:s5], $0x2800  }
0x14e: {  	_ =	swait.ge [sflag:s30], $0x2800  }
0x14f: {  	s31 =	sadd.s32 $0x1, s31;
	s7 =	rddreg [dreg:$0x18]  }
0x150: {  	p0 =	sne.s32 s31, s7  }
.Ltmp2:
0x151: {  	_ = 	snop;
	(pc) =	sbr.rel @p0 .LBB2_1-.Ltmp2, $3  }
0x152: {  	_ =	sdelay $0x1  }
0x153: {  	[sflag:s30] =	ssyncset.done $0x0  }
0x154: {  	[sflag:s30] =	ssyncadd.s32 $0xFFFFD800  }
0x155: {  	_ =	sfence.sel $0x180000  }
0x156: {  	[bflag:$0x0] =	sbarrier.arrive $0xFFFF  }
0x157: {  	_ =	strace $0x90000047  }
0x158: {  	s0 =	stileid.u32;
	[bflag:$0x2] =	sbarrier.arrive $0xFFFF  }
0x159: {  	p0 =	sne.s32 s0, $0x0;
	s0 =	rddreg [dreg:$0x4]  }
0x15a: {  	s0 =	sadd.s32 @!p0 $0x100000, s0  }
0x15b: {  	[sflag:s0] =	ssyncadd.tile.s32 @!p0 $0x1;
	_ =	shalt  }
.Lfunc_end2:
_tile_overlayer_lowered:
.L_overlay_start_2:
0x15c: {  	(tag) =	ssettag $0x2  }
0x15d: {  	s0 =	rddreg [dreg:$0x0];
	s2 =	stileid.u32  }
0x15e: {  	s1 =	rddreg [dreg:$0x1];
	p0 =	sne.s32 s2, $0x0  }
0x15f: {  	s3 =	rddreg [dreg:$0x2];
	[bflag:$0x3] =	sbarrier.arrive $0xFFFF;
	s2 =	simm.s32 @!p0 $0x1C04  }
0x160: {  	[timem:s3], [sflag:s2] =	dma.local @!p0 [hbm:s0], s1  }
0x161: {  	s0 =	simm.s32 @!p0 $0x4  }
0x162: {  	_ =	swait.ge @!p0 [sflag:s0], s1  }
0x163: {  	s1 =	ssub.s32 @!p0 $0x0, s1;
	[sflag:s0] =	ssyncset.done @!p0 $0x0  }
0x164: {  	[sflag:s0] =	ssyncadd.s32 @!p0 s1  }
0x165: {  	[bflag:$0x3] =	sbarrier.arrive $0xFFFF  }
0x166: {  	_ =	shalt  }

</sc_bundles>
